<compile_context>
chip_gen: v7x
topology: tpu7x:2x2x1
jax: 0.10.2.dev20260603
libtpu: 0.0.44.dev20260713+nightly
codegen_flags: <defaults>
</compile_context>

<pallas_src>
import jax
import jax.numpy as jnp
from jax import lax
from jax.experimental import pallas as pl
from jax.experimental.pallas import tpu as pltpu
from jax.experimental.pallas import tpu_sc as plsc

B = 65536
N_CELLS = 128
N_NODES = 129
K = 4
LANES = 128
NBLK = B // LANES
NC = 2
NS = 16
NW = NC * NS
CHUNK = B // NW
GROUPS = CHUNK // 16
HGRP = GROUPS // 2
HALF = CHUNK * K // 2
SFHALF = B * K


def _body(cellid_hbm, sff_hbm, nodal_hbm, conn_hbm, out_hbm,
          cellid_v, sfa_v, sfb_v, out_v, nodal_v, conn_v, v1tab, v2tab,
          sem_tab, sem_cell, sem_a, sem_b, sem_out):
    wid = lax.axis_index("s") * NC + lax.axis_index("c")
    base = wid * CHUNK
    fbase = base * K

    cp_nod = pltpu.async_copy(nodal_hbm, nodal_v, sem_tab)
    cp_conn = pltpu.async_copy(conn_hbm, conn_v, sem_tab)
    cp_cell = pltpu.async_copy(cellid_hbm.at[pl.ds(base, CHUNK)], cellid_v,
                               sem_cell)
    cp_a0 = pltpu.async_copy(sff_hbm.at[pl.ds(fbase, HALF)],
                             sfa_v.at[pl.ds(0, HALF)], sem_a)
    cp_b0 = pltpu.async_copy(sff_hbm.at[pl.ds(SFHALF + fbase, HALF)],
                             sfb_v.at[pl.ds(0, HALF)], sem_b)
    cp_a1 = pltpu.async_copy(sff_hbm.at[pl.ds(fbase + HALF, HALF)],
                             sfa_v.at[pl.ds(HALF, HALF)], sem_a)
    cp_b1 = pltpu.async_copy(sff_hbm.at[pl.ds(SFHALF + fbase + HALF, HALF)],
                             sfb_v.at[pl.ds(HALF, HALF)], sem_b)
    cp_nod.wait()
    cp_conn.wait()

    iota = lax.iota(jnp.int32, 16)

    def build(i, _):
        cidx = iota + i * 16
        n1 = plsc.load_gather(conn_v, [cidx]) - 1
        n2 = plsc.load_gather(conn_v, [cidx + N_CELLS]) - 1
        v1tab[pl.ds(i * 16, 16)] = plsc.load_gather(nodal_v, [n1])
        v2tab[pl.ds(i * 16, 16)] = plsc.load_gather(nodal_v, [n2])
        return 0

    lax.fori_loop(0, N_CELLS // 16, build, 0, unroll=True)

    def group(t):
        cid = cellid_v[pl.ds(t * 16, 16)]
        v1 = plsc.load_gather(v1tab, [cid])
        v2 = plsc.load_gather(v2tab, [cid])
        off = (t // 8) * (K * LANES) + (t % 8) * 16
        for k in range(K):
            a = sfa_v[pl.ds(off + k * LANES, 16)]
            b = sfb_v[pl.ds(off + k * LANES, 16)]
            out_v[pl.ds(off + k * LANES, 16)] = a * v1 + b * v2

    cp_cell.wait()
    cp_a0.wait()
    cp_b0.wait()
    plsc.parallel_loop(0, HGRP)(group)
    cp_out0 = pltpu.async_copy(out_v.at[pl.ds(0, HALF)],
                               out_hbm.at[pl.ds(fbase, HALF)], sem_out)
    cp_a1.wait()
    cp_b1.wait()
    plsc.parallel_loop(HGRP, GROUPS)(group)
    cp_out1 = pltpu.async_copy(out_v.at[pl.ds(HALF, HALF)],
                               out_hbm.at[pl.ds(fbase + HALF, HALF)], sem_out)
    cp_out0.wait()
    cp_out1.wait()


@jax.jit
def _run(cell_id, sff, nodal, connf):
    mesh = plsc.VectorSubcoreMesh(core_axis_name="c", subcore_axis_name="s")
    return pl.kernel(
        _body,
        out_type=jax.ShapeDtypeStruct((B * K,), jnp.float32),
        mesh=mesh,
        compiler_params=pltpu.CompilerParams(needs_layout_passes=False),
        scratch_types=[
            pltpu.VMEM((CHUNK,), jnp.int32),
            pltpu.VMEM((CHUNK * K,), jnp.float32),
            pltpu.VMEM((CHUNK * K,), jnp.float32),
            pltpu.VMEM((CHUNK * K,), jnp.float32),
            pltpu.VMEM((N_NODES,), jnp.float32),
            pltpu.VMEM((N_CELLS * 2,), jnp.int32),
            pltpu.VMEM((N_CELLS,), jnp.float32),
            pltpu.VMEM((N_CELLS,), jnp.float32),
            pltpu.SemaphoreType.DMA,
            pltpu.SemaphoreType.DMA,
            pltpu.SemaphoreType.DMA,
            pltpu.SemaphoreType.DMA,
            pltpu.SemaphoreType.DMA,
        ],
    )(cell_id, sff, nodal, connf)


def kernel(x, cell_id, nodal_values, shape_functions, connectivity):
    cell_id = cell_id.astype(jnp.int32)
    sff = (shape_functions.astype(jnp.float32)
           .transpose(1, 0, 2)
           .reshape(2, NBLK, LANES, K)
           .transpose(0, 1, 3, 2)
           .reshape(-1))
    nodal = nodal_values.reshape(-1).astype(jnp.float32)
    connf = connectivity.astype(jnp.int32).T.reshape(-1)
    out = _run(cell_id, sff, nodal, connf)
    return out.reshape(NBLK, K, LANES).transpose(0, 2, 1).reshape(B, K)

# --- scband reference (transcript-rebuilt; emitter-appended) ---
"""Pipeline reference for scband-interpolation-block1-d-lin-26010321944829 (READ-ONLY COPY).

The authoritative reference and input builder live on the scoring server;
editing this copy changes nothing except your own understanding.
"""

import jax, jax.numpy as jnp
import numpy as np

B = 65536
N_CELLS = 128
N_NODES = 129
K = 4

def setup_inputs(seed: int = 0) -> dict:
    key = jax.random.key(seed)
    k1, k2, k3, k4 = jax.random.split(key, 4)
    x = jax.random.normal(k1, (B,), dtype=jnp.float32)
    cell_id = jax.random.randint(k2, (B,), 0, N_CELLS)
    nodal_values = jax.random.normal(k3, (N_NODES, 1), dtype=jnp.float32)
    shape_functions = jax.random.uniform(k4, (B, 2, K), dtype=jnp.float32)
    # 1-based chain connectivity: cell i connects nodes (i+1, i+2)
    connectivity = jnp.stack([jnp.arange(1, N_NODES, dtype=jnp.int32),
                              jnp.arange(2, N_NODES + 1, dtype=jnp.int32)], axis=1)
    return {"x": x, "cell_id": cell_id, "nodal_values": nodal_values,
            "shape_functions": shape_functions, "connectivity": connectivity}

def reference(x, cell_id, nodal_values, shape_functions, connectivity):
    # cell_nodes_IDs = connectivity[cell_id, :] - 1  (convert 1-based to 0-based)
    cell_nodes = jnp.take(connectivity, cell_id, axis=0) - 1  # [B, 2]
    # node1_value / node2_value: gather nodal_values rows (each row shape [1]) and concatenate -> [B]
    node1_value = jnp.take(nodal_values, cell_nodes[:, 0], axis=0).reshape(-1)  # [B]
    node2_value = jnp.take(nodal_values, cell_nodes[:, 1], axis=0).reshape(-1)  # [B]
    # prod[k] = sf[:,0,k]*node1 + sf[:,1,k]*node2 ; stacked at dim=1 -> [B, K]
    prod = shape_functions[:, 0, :] * node1_value[:, None] + shape_functions[:, 1, :] * node2_value[:, None]
    return prod

if __name__ == "__main__":
    import jax
    _d = setup_inputs()
    print(jax.jit(kernel)(*tuple(_d.values())))

</pallas_src>

<mosaic_0001>
#map = affine_map<(d0, d1) -> (0)>
module attributes {stable_mosaic.version = 14 : i64} {
  func.func @_body(%arg0: i32, %arg1: i32, %arg2: memref<65536xi32, #tpu.memory_space<hbm>>, %arg3: memref<524288xf32, #tpu.memory_space<hbm>>, %arg4: memref<129xf32, #tpu.memory_space<hbm>>, %arg5: memref<256xi32, #tpu.memory_space<hbm>>, %arg6: memref<262144xf32, #tpu.memory_space<hbm>>, %arg7: memref<2048xi32, #tpu.memory_space<vmem>>, %arg8: memref<8192xf32, #tpu.memory_space<vmem>>, %arg9: memref<8192xf32, #tpu.memory_space<vmem>>, %arg10: memref<8192xf32, #tpu.memory_space<vmem>>, %arg11: memref<129xf32, #tpu.memory_space<vmem>>, %arg12: memref<256xi32, #tpu.memory_space<vmem>>, %arg13: memref<128xf32, #tpu.memory_space<vmem>>, %arg14: memref<128xf32, #tpu.memory_space<vmem>>, %arg15: memref<!tpu.dma_semaphore, #tpu.memory_space<semaphore_mem>>, %arg16: memref<!tpu.dma_semaphore, #tpu.memory_space<semaphore_mem>>, %arg17: memref<!tpu.dma_semaphore, #tpu.memory_space<semaphore_mem>>, %arg18: memref<!tpu.dma_semaphore, #tpu.memory_space<semaphore_mem>>, %arg19: memref<!tpu.dma_semaphore, #tpu.memory_space<semaphore_mem>>) attributes {dimension_semantics = [#tpu.dimension_semantics<core_parallel>, #tpu.dimension_semantics<subcore_parallel>], iteration_bounds = array<i64: 2, 16>, scalar_prefetch = 0 : i64, scratch_operands = 13 : i64, tpu.core_type = #tpu.core_type<sc_vector_subcore>, window_params = [{transform_indices = #map}, {transform_indices = #map}, {transform_indices = #map}, {transform_indices = #map}, {transform_indices = #map}]} {
    %mul3A = arith.constant 2 : i32
    %mul3A_0 = arith.muli %arg1, %mul3A : i32
    %add3A = arith.addi %mul3A_0, %arg0 : i32
    %mul3A_1 = arith.constant 2048 : i32
    %mul3A_2 = arith.muli %add3A, %mul3A_1 : i32
    %mul3A_3 = arith.constant 4 : i32
    %mul3A_4 = arith.muli %mul3A_2, %mul3A_3 : i32
    tpu.enqueue_dma source(%arg4 : memref<129xf32, #tpu.memory_space<hbm>>) target(%arg11 : memref<129xf32, #tpu.memory_space<vmem>>) target_semaphore(%arg15 : memref<!tpu.dma_semaphore, #tpu.memory_space<semaphore_mem>>)
    tpu.enqueue_dma source(%arg5 : memref<256xi32, #tpu.memory_space<hbm>>) target(%arg12 : memref<256xi32, #tpu.memory_space<vmem>>) target_semaphore(%arg15 : memref<!tpu.dma_semaphore, #tpu.memory_space<semaphore_mem>>)
    %dma_start3A = tpu.memref_slice %arg2[%mul3A_2] : memref<65536xi32, #tpu.memory_space<hbm>> -> memref<2048xi32, #tpu.memory_space<hbm>>
    %dma_start3A_5 = tpu.memref_slice %arg2[%mul3A_2] : memref<65536xi32, #tpu.memory_space<hbm>> -> memref<2048xi32, #tpu.memory_space<hbm>>
    tpu.enqueue_dma source(%dma_start3A_5 : memref<2048xi32, #tpu.memory_space<hbm>>) target(%arg7 : memref<2048xi32, #tpu.memory_space<vmem>>) target_semaphore(%arg16 : memref<!tpu.dma_semaphore, #tpu.memory_space<semaphore_mem>>)
    %dma_start3A_6 = arith.constant 0 : i32
    %dma_start3A_7 = tpu.memref_slice %arg8[%dma_start3A_6] : memref<8192xf32, #tpu.memory_space<vmem>> -> memref<4096xf32, #tpu.memory_space<vmem>>
    %dma_start3A_8 = tpu.memref_slice %arg3[%mul3A_4] : memref<524288xf32, #tpu.memory_space<hbm>> -> memref<4096xf32, #tpu.memory_space<hbm>>
    %dma_start3A_9 = arith.constant 0 : i32
    %dma_start3A_10 = tpu.memref_slice %arg8[%dma_start3A_9] : memref<8192xf32, #tpu.memory_space<vmem>> -> memref<4096xf32, #tpu.memory_space<vmem>>
    %dma_start3A_11 = tpu.memref_slice %arg3[%mul3A_4] : memref<524288xf32, #tpu.memory_space<hbm>> -> memref<4096xf32, #tpu.memory_space<hbm>>
    tpu.enqueue_dma source(%dma_start3A_11 : memref<4096xf32, #tpu.memory_space<hbm>>) target(%dma_start3A_10 : memref<4096xf32, #tpu.memory_space<vmem>>) target_semaphore(%arg17 : memref<!tpu.dma_semaphore, #tpu.memory_space<semaphore_mem>>)
    %add3A_12 = arith.constant 262144 : i32
    %add3A_13 = arith.addi %add3A_12, %mul3A_4 : i32
    %dma_start3A_14 = arith.constant 0 : i32
    %dma_start3A_15 = tpu.memref_slice %arg9[%dma_start3A_14] : memref<8192xf32, #tpu.memory_space<vmem>> -> memref<4096xf32, #tpu.memory_space<vmem>>
    %dma_start3A_16 = tpu.memref_slice %arg3[%add3A_13] : memref<524288xf32, #tpu.memory_space<hbm>> -> memref<4096xf32, #tpu.memory_space<hbm>>
    %dma_start3A_17 = arith.constant 0 : i32
    %dma_start3A_18 = tpu.memref_slice %arg9[%dma_start3A_17] : memref<8192xf32, #tpu.memory_space<vmem>> -> memref<4096xf32, #tpu.memory_space<vmem>>
    %dma_start3A_19 = tpu.memref_slice %arg3[%add3A_13] : memref<524288xf32, #tpu.memory_space<hbm>> -> memref<4096xf32, #tpu.memory_space<hbm>>
    tpu.enqueue_dma source(%dma_start3A_19 : memref<4096xf32, #tpu.memory_space<hbm>>) target(%dma_start3A_18 : memref<4096xf32, #tpu.memory_space<vmem>>) target_semaphore(%arg18 : memref<!tpu.dma_semaphore, #tpu.memory_space<semaphore_mem>>)
    %add3A_20 = arith.constant 4096 : i32
    %add3A_21 = arith.addi %mul3A_4, %add3A_20 : i32
    %dma_start3A_22 = arith.constant 4096 : i32
    %dma_start3A_23 = tpu.memref_slice %arg8[%dma_start3A_22] : memref<8192xf32, #tpu.memory_space<vmem>> -> memref<4096xf32, #tpu.memory_space<vmem>>
    %dma_start3A_24 = tpu.memref_slice %arg3[%add3A_21] : memref<524288xf32, #tpu.memory_space<hbm>> -> memref<4096xf32, #tpu.memory_space<hbm>>
    %dma_start3A_25 = arith.constant 4096 : i32
    %dma_start3A_26 = tpu.memref_slice %arg8[%dma_start3A_25] : memref<8192xf32, #tpu.memory_space<vmem>> -> memref<4096xf32, #tpu.memory_space<vmem>>
    %dma_start3A_27 = tpu.memref_slice %arg3[%add3A_21] : memref<524288xf32, #tpu.memory_space<hbm>> -> memref<4096xf32, #tpu.memory_space<hbm>>
    tpu.enqueue_dma source(%dma_start3A_27 : memref<4096xf32, #tpu.memory_space<hbm>>) target(%dma_start3A_26 : memref<4096xf32, #tpu.memory_space<vmem>>) target_semaphore(%arg17 : memref<!tpu.dma_semaphore, #tpu.memory_space<semaphore_mem>>)
    %add3A_28 = arith.constant 262144 : i32
    %add3A_29 = arith.addi %add3A_28, %mul3A_4 : i32
    %add3A_30 = arith.constant 4096 : i32
    %add3A_31 = arith.addi %add3A_29, %add3A_30 : i32
    %dma_start3A_32 = arith.constant 4096 : i32
    %dma_start3A_33 = tpu.memref_slice %arg9[%dma_start3A_32] : memref<8192xf32, #tpu.memory_space<vmem>> -> memref<4096xf32, #tpu.memory_space<vmem>>
    %dma_start3A_34 = tpu.memref_slice %arg3[%add3A_31] : memref<524288xf32, #tpu.memory_space<hbm>> -> memref<4096xf32, #tpu.memory_space<hbm>>
    %dma_start3A_35 = arith.constant 4096 : i32
    %dma_start3A_36 = tpu.memref_slice %arg9[%dma_start3A_35] : memref<8192xf32, #tpu.memory_space<vmem>> -> memref<4096xf32, #tpu.memory_space<vmem>>
    %dma_start3A_37 = tpu.memref_slice %arg3[%add3A_31] : memref<524288xf32, #tpu.memory_space<hbm>> -> memref<4096xf32, #tpu.memory_space<hbm>>
    tpu.enqueue_dma source(%dma_start3A_37 : memref<4096xf32, #tpu.memory_space<hbm>>) target(%dma_start3A_36 : memref<4096xf32, #tpu.memory_space<vmem>>) target_semaphore(%arg18 : memref<!tpu.dma_semaphore, #tpu.memory_space<semaphore_mem>>)
    tpu.wait_dma2 semaphore(%arg15 : memref<!tpu.dma_semaphore, #tpu.memory_space<semaphore_mem>>) src(%arg4 : memref<129xf32, #tpu.memory_space<hbm>>) dst(%arg11 : memref<129xf32, #tpu.memory_space<vmem>>)
    tpu.wait_dma2 semaphore(%arg15 : memref<!tpu.dma_semaphore, #tpu.memory_space<semaphore_mem>>) src(%arg5 : memref<256xi32, #tpu.memory_space<hbm>>) dst(%arg12 : memref<256xi32, #tpu.memory_space<vmem>>)
    %iota3A = tpu.iota {dimensions = array<i32: 0>} : vector<16xi32>
    %scan3A = arith.constant 0 : i32
    %scan3A_38 = arith.constant 0 : i32
    %mul3A_39 = arith.constant 16 : i32
    %mul3A_40 = arith.muli %scan3A_38, %mul3A_39 : i32
    %add3A_41 = vector.broadcast %mul3A_40 : i32 to vector<16xi32>
    %add3A_42 = arith.addi %iota3A, %add3A_41 : vector<16xi32>
    %gather3A = tpu.vector_load_idx %arg12[%add3A_42] : memref<256xi32, #tpu.memory_space<vmem>>[vector<16xi32>], vector<16xi32>,
    %sub3A = arith.constant 1 : i32
    %sub3A_43 = vector.broadcast %sub3A : i32 to vector<16xi32>
    %sub3A_44 = arith.subi %gather3A, %sub3A_43 : vector<16xi32>
    %add3A_45 = arith.constant 128 : i32
    %add3A_46 = vector.broadcast %add3A_45 : i32 to vector<16xi32>
    %add3A_47 = arith.addi %add3A_42, %add3A_46 : vector<16xi32>
    %gather3A_48 = tpu.vector_load_idx %arg12[%add3A_47] : memref<256xi32, #tpu.memory_space<vmem>>[vector<16xi32>], vector<16xi32>,
    %sub3A_49 = arith.constant 1 : i32
    %sub3A_50 = vector.broadcast %sub3A_49 : i32 to vector<16xi32>
    %sub3A_51 = arith.subi %gather3A_48, %sub3A_50 : vector<16xi32>
    %gather3A_52 = tpu.vector_load_idx %arg11[%sub3A_44] : memref<129xf32, #tpu.memory_space<vmem>>[vector<16xi32>], vector<16xf32>,
    %mul3A_53 = arith.constant 16 : i32
    %mul3A_54 = arith.muli %scan3A_38, %mul3A_53 : i32
    %swap3A = arith.index_cast %mul3A_54 : i32 to index
    %swap3A_55 = tpu.vector_load %arg13[%swap3A] {strides = array<i32>} : memref<128xf32, #tpu.memory_space<vmem>>, vector<16xf32>,
    tpu.vector_store %arg13[%swap3A], %gather3A_52 {strides = array<i32>} : memref<128xf32, #tpu.memory_space<vmem>>, vector<16xf32>,
    %gather3A_56 = tpu.vector_load_idx %arg11[%sub3A_51] : memref<129xf32, #tpu.memory_space<vmem>>[vector<16xi32>], vector<16xf32>,
    %mul3A_57 = arith.constant 16 : i32
    %mul3A_58 = arith.muli %scan3A_38, %mul3A_57 : i32
    %swap3A_59 = arith.index_cast %mul3A_58 : i32 to index
    %swap3A_60 = tpu.vector_load %arg14[%swap3A_59] {strides = array<i32>} : memref<128xf32, #tpu.memory_space<vmem>>, vector<16xf32>,
    tpu.vector_store %arg14[%swap3A_59], %gather3A_56 {strides = array<i32>} : memref<128xf32, #tpu.memory_space<vmem>>, vector<16xf32>,
    %scan3A_61 = arith.constant 0 : i32
    %scan3A_62 = arith.constant 1 : i32
    %mul3A_63 = arith.constant 16 : i32
    %mul3A_64 = arith.muli %scan3A_62, %mul3A_63 : i32
    %add3A_65 = vector.broadcast %mul3A_64 : i32 to vector<16xi32>
    %add3A_66 = arith.addi %iota3A, %add3A_65 : vector<16xi32>
    %gather3A_67 = tpu.vector_load_idx %arg12[%add3A_66] : memref<256xi32, #tpu.memory_space<vmem>>[vector<16xi32>], vector<16xi32>,
    %sub3A_68 = arith.constant 1 : i32
    %sub3A_69 = vector.broadcast %sub3A_68 : i32 to vector<16xi32>
    %sub3A_70 = arith.subi %gather3A_67, %sub3A_69 : vector<16xi32>
    %add3A_71 = arith.constant 128 : i32
    %add3A_72 = vector.broadcast %add3A_71 : i32 to vector<16xi32>
    %add3A_73 = arith.addi %add3A_66, %add3A_72 : vector<16xi32>
    %gather3A_74 = tpu.vector_load_idx %arg12[%add3A_73] : memref<256xi32, #tpu.memory_space<vmem>>[vector<16xi32>], vector<16xi32>,
    %sub3A_75 = arith.constant 1 : i32
    %sub3A_76 = vector.broadcast %sub3A_75 : i32 to vector<16xi32>
    %sub3A_77 = arith.subi %gather3A_74, %sub3A_76 : vector<16xi32>
    %gather3A_78 = tpu.vector_load_idx %arg11[%sub3A_70] : memref<129xf32, #tpu.memory_space<vmem>>[vector<16xi32>], vector<16xf32>,
    %mul3A_79 = arith.constant 16 : i32
    %mul3A_80 = arith.muli %scan3A_62, %mul3A_79 : i32
    %swap3A_81 = arith.index_cast %mul3A_80 : i32 to index
    %swap3A_82 = tpu.vector_load %arg13[%swap3A_81] {strides = array<i32>} : memref<128xf32, #tpu.memory_space<vmem>>, vector<16xf32>,
    tpu.vector_store %arg13[%swap3A_81], %gather3A_78 {strides = array<i32>} : memref<128xf32, #tpu.memory_space<vmem>>, vector<16xf32>,
    %gather3A_83 = tpu.vector_load_idx %arg11[%sub3A_77] : memref<129xf32, #tpu.memory_space<vmem>>[vector<16xi32>], vector<16xf32>,
    %mul3A_84 = arith.constant 16 : i32
    %mul3A_85 = arith.muli %scan3A_62, %mul3A_84 : i32
    %swap3A_86 = arith.index_cast %mul3A_85 : i32 to index
    %swap3A_87 = tpu.vector_load %arg14[%swap3A_86] {strides = array<i32>} : memref<128xf32, #tpu.memory_space<vmem>>, vector<16xf32>,
    tpu.vector_store %arg14[%swap3A_86], %gather3A_83 {strides = array<i32>} : memref<128xf32, #tpu.memory_space<vmem>>, vector<16xf32>,
    %scan3A_88 = arith.constant 0 : i32
    %scan3A_89 = arith.constant 2 : i32
    %mul3A_90 = arith.constant 16 : i32
    %mul3A_91 = arith.muli %scan3A_89, %mul3A_90 : i32
    %add3A_92 = vector.broadcast %mul3A_91 : i32 to vector<16xi32>
    %add3A_93 = arith.addi %iota3A, %add3A_92 : vector<16xi32>
    %gather3A_94 = tpu.vector_load_idx %arg12[%add3A_93] : memref<256xi32, #tpu.memory_space<vmem>>[vector<16xi32>], vector<16xi32>,
    %sub3A_95 = arith.constant 1 : i32
    %sub3A_96 = vector.broadcast %sub3A_95 : i32 to vector<16xi32>
    %sub3A_97 = arith.subi %gather3A_94, %sub3A_96 : vector<16xi32>
    %add3A_98 = arith.constant 128 : i32
    %add3A_99 = vector.broadcast %add3A_98 : i32 to vector<16xi32>
    %add3A_100 = arith.addi %add3A_93, %add3A_99 : vector<16xi32>
    %gather3A_101 = tpu.vector_load_idx %arg12[%add3A_100] : memref<256xi32, #tpu.memory_space<vmem>>[vector<16xi32>], vector<16xi32>,
    %sub3A_102 = arith.constant 1 : i32
    %sub3A_103 = vector.broadcast %sub3A_102 : i32 to vector<16xi32>
    %sub3A_104 = arith.subi %gather3A_101, %sub3A_103 : vector<16xi32>
    %gather3A_105 = tpu.vector_load_idx %arg11[%sub3A_97] : memref<129xf32, #tpu.memory_space<vmem>>[vector<16xi32>], vector<16xf32>,
    %mul3A_106 = arith.constant 16 : i32
    %mul3A_107 = arith.muli %scan3A_89, %mul3A_106 : i32
    %swap3A_108 = arith.index_cast %mul3A_107 : i32 to index
    %swap3A_109 = tpu.vector_load %arg13[%swap3A_108] {strides = array<i32>} : memref<128xf32, #tpu.memory_space<vmem>>, vector<16xf32>,
    tpu.vector_store %arg13[%swap3A_108], %gather3A_105 {strides = array<i32>} : memref<128xf32, #tpu.memory_space<vmem>>, vector<16xf32>,
    %gather3A_110 = tpu.vector_load_idx %arg11[%sub3A_104] : memref<129xf32, #tpu.memory_space<vmem>>[vector<16xi32>], vector<16xf32>,
    %mul3A_111 = arith.constant 16 : i32
    %mul3A_112 = arith.muli %scan3A_89, %mul3A_111 : i32
    %swap3A_113 = arith.index_cast %mul3A_112 : i32 to index
    %swap3A_114 = tpu.vector_load %arg14[%swap3A_113] {strides = array<i32>} : memref<128xf32, #tpu.memory_space<vmem>>, vector<16xf32>,
    tpu.vector_store %arg14[%swap3A_113], %gather3A_110 {strides = array<i32>} : memref<128xf32, #tpu.memory_space<vmem>>, vector<16xf32>,
    %scan3A_115 = arith.constant 0 : i32
    %scan3A_116 = arith.constant 3 : i32
    %mul3A_117 = arith.constant 16 : i32
    %mul3A_118 = arith.muli %scan3A_116, %mul3A_117 : i32
    %add3A_119 = vector.broadcast %mul3A_118 : i32 to vector<16xi32>
    %add3A_120 = arith.addi %iota3A, %add3A_119 : vector<16xi32>
    %gather3A_121 = tpu.vector_load_idx %arg12[%add3A_120] : memref<256xi32, #tpu.memory_space<vmem>>[vector<16xi32>], vector<16xi32>,
    %sub3A_122 = arith.constant 1 : i32
    %sub3A_123 = vector.broadcast %sub3A_122 : i32 to vector<16xi32>
    %sub3A_124 = arith.subi %gather3A_121, %sub3A_123 : vector<16xi32>
    %add3A_125 = arith.constant 128 : i32
    %add3A_126 = vector.broadcast %add3A_125 : i32 to vector<16xi32>
    %add3A_127 = arith.addi %add3A_120, %add3A_126 : vector<16xi32>
    %gather3A_128 = tpu.vector_load_idx %arg12[%add3A_127] : memref<256xi32, #tpu.memory_space<vmem>>[vector<16xi32>], vector<16xi32>,
    %sub3A_129 = arith.constant 1 : i32
    %sub3A_130 = vector.broadcast %sub3A_129 : i32 to vector<16xi32>
    %sub3A_131 = arith.subi %gather3A_128, %sub3A_130 : vector<16xi32>
    %gather3A_132 = tpu.vector_load_idx %arg11[%sub3A_124] : memref<129xf32, #tpu.memory_space<vmem>>[vector<16xi32>], vector<16xf32>,
    %mul3A_133 = arith.constant 16 : i32
    %mul3A_134 = arith.muli %scan3A_116, %mul3A_133 : i32
    %swap3A_135 = arith.index_cast %mul3A_134 : i32 to index
    %swap3A_136 = tpu.vector_load %arg13[%swap3A_135] {strides = array<i32>} : memref<128xf32, #tpu.memory_space<vmem>>, vector<16xf32>,
    tpu.vector_store %arg13[%swap3A_135], %gather3A_132 {strides = array<i32>} : memref<128xf32, #tpu.memory_space<vmem>>, vector<16xf32>,
    %gather3A_137 = tpu.vector_load_idx %arg11[%sub3A_131] : memref<129xf32, #tpu.memory_space<vmem>>[vector<16xi32>], vector<16xf32>,
    %mul3A_138 = arith.constant 16 : i32
    %mul3A_139 = arith.muli %scan3A_116, %mul3A_138 : i32
    %swap3A_140 = arith.index_cast %mul3A_139 : i32 to index
    %swap3A_141 = tpu.vector_load %arg14[%swap3A_140] {strides = array<i32>} : memref<128xf32, #tpu.memory_space<vmem>>, vector<16xf32>,
    tpu.vector_store %arg14[%swap3A_140], %gather3A_137 {strides = array<i32>} : memref<128xf32, #tpu.memory_space<vmem>>, vector<16xf32>,
    %scan3A_142 = arith.constant 0 : i32
    %scan3A_143 = arith.constant 4 : i32
    %mul3A_144 = arith.constant 16 : i32
    %mul3A_145 = arith.muli %scan3A_143, %mul3A_144 : i32
    %add3A_146 = vector.broadcast %mul3A_145 : i32 to vector<16xi32>
    %add3A_147 = arith.addi %iota3A, %add3A_146 : vector<16xi32>
    %gather3A_148 = tpu.vector_load_idx %arg12[%add3A_147] : memref<256xi32, #tpu.memory_space<vmem>>[vector<16xi32>], vector<16xi32>,
    %sub3A_149 = arith.constant 1 : i32
    %sub3A_150 = vector.broadcast %sub3A_149 : i32 to vector<16xi32>
    %sub3A_151 = arith.subi %gather3A_148, %sub3A_150 : vector<16xi32>
    %add3A_152 = arith.constant 128 : i32
    %add3A_153 = vector.broadcast %add3A_152 : i32 to vector<16xi32>
    %add3A_154 = arith.addi %add3A_147, %add3A_153 : vector<16xi32>
    %gather3A_155 = tpu.vector_load_idx %arg12[%add3A_154] : memref<256xi32, #tpu.memory_space<vmem>>[vector<16xi32>], vector<16xi32>,
    %sub3A_156 = arith.constant 1 : i32
    %sub3A_157 = vector.broadcast %sub3A_156 : i32 to vector<16xi32>
    %sub3A_158 = arith.subi %gather3A_155, %sub3A_157 : vector<16xi32>
    %gather3A_159 = tpu.vector_load_idx %arg11[%sub3A_151] : memref<129xf32, #tpu.memory_space<vmem>>[vector<16xi32>], vector<16xf32>,
    %mul3A_160 = arith.constant 16 : i32
    %mul3A_161 = arith.muli %scan3A_143, %mul3A_160 : i32
    %swap3A_162 = arith.index_cast %mul3A_161 : i32 to index
    %swap3A_163 = tpu.vector_load %arg13[%swap3A_162] {strides = array<i32>} : memref<128xf32, #tpu.memory_space<vmem>>, vector<16xf32>,
    tpu.vector_store %arg13[%swap3A_162], %gather3A_159 {strides = array<i32>} : memref<128xf32, #tpu.memory_space<vmem>>, vector<16xf32>,
    %gather3A_164 = tpu.vector_load_idx %arg11[%sub3A_158] : memref<129xf32, #tpu.memory_space<vmem>>[vector<16xi32>], vector<16xf32>,
    %mul3A_165 = arith.constant 16 : i32
    %mul3A_166 = arith.muli %scan3A_143, %mul3A_165 : i32
    %swap3A_167 = arith.index_cast %mul3A_166 : i32 to index
    %swap3A_168 = tpu.vector_load %arg14[%swap3A_167] {strides = array<i32>} : memref<128xf32, #tpu.memory_space<vmem>>, vector<16xf32>,
    tpu.vector_store %arg14[%swap3A_167], %gather3A_164 {strides = array<i32>} : memref<128xf32, #tpu.memory_space<vmem>>, vector<16xf32>,
    %scan3A_169 = arith.constant 0 : i32
    %scan3A_170 = arith.constant 5 : i32
    %mul3A_171 = arith.constant 16 : i32
    %mul3A_172 = arith.muli %scan3A_170, %mul3A_171 : i32
    %add3A_173 = vector.broadcast %mul3A_172 : i32 to vector<16xi32>
    %add3A_174 = arith.addi %iota3A, %add3A_173 : vector<16xi32>
    %gather3A_175 = tpu.vector_load_idx %arg12[%add3A_174] : memref<256xi32, #tpu.memory_space<vmem>>[vector<16xi32>], vector<16xi32>,
    %sub3A_176 = arith.constant 1 : i32
    %sub3A_177 = vector.broadcast %sub3A_176 : i32 to vector<16xi32>
    %sub3A_178 = arith.subi %gather3A_175, %sub3A_177 : vector<16xi32>
    %add3A_179 = arith.constant 128 : i32
    %add3A_180 = vector.broadcast %add3A_179 : i32 to vector<16xi32>
    %add3A_181 = arith.addi %add3A_174, %add3A_180 : vector<16xi32>
    %gather3A_182 = tpu.vector_load_idx %arg12[%add3A_181] : memref<256xi32, #tpu.memory_space<vmem>>[vector<16xi32>], vector<16xi32>,
    %sub3A_183 = arith.constant 1 : i32
    %sub3A_184 = vector.broadcast %sub3A_183 : i32 to vector<16xi32>
    %sub3A_185 = arith.subi %gather3A_182, %sub3A_184 : vector<16xi32>
    %gather3A_186 = tpu.vector_load_idx %arg11[%sub3A_178] : memref<129xf32, #tpu.memory_space<vmem>>[vector<16xi32>], vector<16xf32>,
    %mul3A_187 = arith.constant 16 : i32
    %mul3A_188 = arith.muli %scan3A_170, %mul3A_187 : i32
    %swap3A_189 = arith.index_cast %mul3A_188 : i32 to index
    %swap3A_190 = tpu.vector_load %arg13[%swap3A_189] {strides = array<i32>} : memref<128xf32, #tpu.memory_space<vmem>>, vector<16xf32>,
    tpu.vector_store %arg13[%swap3A_189], %gather3A_186 {strides = array<i32>} : memref<128xf32, #tpu.memory_space<vmem>>, vector<16xf32>,
    %gather3A_191 = tpu.vector_load_idx %arg11[%sub3A_185] : memref<129xf32, #tpu.memory_space<vmem>>[vector<16xi32>], vector<16xf32>,
    %mul3A_192 = arith.constant 16 : i32
    %mul3A_193 = arith.muli %scan3A_170, %mul3A_192 : i32
    %swap3A_194 = arith.index_cast %mul3A_193 : i32 to index
    %swap3A_195 = tpu.vector_load %arg14[%swap3A_194] {strides = array<i32>} : memref<128xf32, #tpu.memory_space<vmem>>, vector<16xf32>,
    tpu.vector_store %arg14[%swap3A_194], %gather3A_191 {strides = array<i32>} : memref<128xf32, #tpu.memory_space<vmem>>, vector<16xf32>,
    %scan3A_196 = arith.constant 0 : i32
    %scan3A_197 = arith.constant 6 : i32
    %mul3A_198 = arith.constant 16 : i32
    %mul3A_199 = arith.muli %scan3A_197, %mul3A_198 : i32
    %add3A_200 = vector.broadcast %mul3A_199 : i32 to vector<16xi32>
    %add3A_201 = arith.addi %iota3A, %add3A_200 : vector<16xi32>
    %gather3A_202 = tpu.vector_load_idx %arg12[%add3A_201] : memref<256xi32, #tpu.memory_space<vmem>>[vector<16xi32>], vector<16xi32>,
    %sub3A_203 = arith.constant 1 : i32
    %sub3A_204 = vector.broadcast %sub3A_203 : i32 to vector<16xi32>
    %sub3A_205 = arith.subi %gather3A_202, %sub3A_204 : vector<16xi32>
    %add3A_206 = arith.constant 128 : i32
    %add3A_207 = vector.broadcast %add3A_206 : i32 to vector<16xi32>
    %add3A_208 = arith.addi %add3A_201, %add3A_207 : vector<16xi32>
    %gather3A_209 = tpu.vector_load_idx %arg12[%add3A_208] : memref<256xi32, #tpu.memory_space<vmem>>[vector<16xi32>], vector<16xi32>,
    %sub3A_210 = arith.constant 1 : i32
    %sub3A_211 = vector.broadcast %sub3A_210 : i32 to vector<16xi32>
    %sub3A_212 = arith.subi %gather3A_209, %sub3A_211 : vector<16xi32>
    %gather3A_213 = tpu.vector_load_idx %arg11[%sub3A_205] : memref<129xf32, #tpu.memory_space<vmem>>[vector<16xi32>], vector<16xf32>,
    %mul3A_214 = arith.constant 16 : i32
    %mul3A_215 = arith.muli %scan3A_197, %mul3A_214 : i32
    %swap3A_216 = arith.index_cast %mul3A_215 : i32 to index
    %swap3A_217 = tpu.vector_load %arg13[%swap3A_216] {strides = array<i32>} : memref<128xf32, #tpu.memory_space<vmem>>, vector<16xf32>,
    tpu.vector_store %arg13[%swap3A_216], %gather3A_213 {strides = array<i32>} : memref<128xf32, #tpu.memory_space<vmem>>, vector<16xf32>,
    %gather3A_218 = tpu.vector_load_idx %arg11[%sub3A_212] : memref<129xf32, #tpu.memory_space<vmem>>[vector<16xi32>], vector<16xf32>,
    %mul3A_219 = arith.constant 16 : i32
    %mul3A_220 = arith.muli %scan3A_197, %mul3A_219 : i32
    %swap3A_221 = arith.index_cast %mul3A_220 : i32 to index
    %swap3A_222 = tpu.vector_load %arg14[%swap3A_221] {strides = array<i32>} : memref<128xf32, #tpu.memory_space<vmem>>, vector<16xf32>,
    tpu.vector_store %arg14[%swap3A_221], %gather3A_218 {strides = array<i32>} : memref<128xf32, #tpu.memory_space<vmem>>, vector<16xf32>,
    %scan3A_223 = arith.constant 0 : i32
    %scan3A_224 = arith.constant 7 : i32
    %mul3A_225 = arith.constant 16 : i32
    %mul3A_226 = arith.muli %scan3A_224, %mul3A_225 : i32
    %add3A_227 = vector.broadcast %mul3A_226 : i32 to vector<16xi32>
    %add3A_228 = arith.addi %iota3A, %add3A_227 : vector<16xi32>
    %gather3A_229 = tpu.vector_load_idx %arg12[%add3A_228] : memref<256xi32, #tpu.memory_space<vmem>>[vector<16xi32>], vector<16xi32>,
    %sub3A_230 = arith.constant 1 : i32
    %sub3A_231 = vector.broadcast %sub3A_230 : i32 to vector<16xi32>
    %sub3A_232 = arith.subi %gather3A_229, %sub3A_231 : vector<16xi32>
    %add3A_233 = arith.constant 128 : i32
    %add3A_234 = vector.broadcast %add3A_233 : i32 to vector<16xi32>
    %add3A_235 = arith.addi %add3A_228, %add3A_234 : vector<16xi32>
    %gather3A_236 = tpu.vector_load_idx %arg12[%add3A_235] : memref<256xi32, #tpu.memory_space<vmem>>[vector<16xi32>], vector<16xi32>,
    %sub3A_237 = arith.constant 1 : i32
    %sub3A_238 = vector.broadcast %sub3A_237 : i32 to vector<16xi32>
    %sub3A_239 = arith.subi %gather3A_236, %sub3A_238 : vector<16xi32>
    %gather3A_240 = tpu.vector_load_idx %arg11[%sub3A_232] : memref<129xf32, #tpu.memory_space<vmem>>[vector<16xi32>], vector<16xf32>,
    %mul3A_241 = arith.constant 16 : i32
    %mul3A_242 = arith.muli %scan3A_224, %mul3A_241 : i32
    %swap3A_243 = arith.index_cast %mul3A_242 : i32 to index
    %swap3A_244 = tpu.vector_load %arg13[%swap3A_243] {strides = array<i32>} : memref<128xf32, #tpu.memory_space<vmem>>, vector<16xf32>,
    tpu.vector_store %arg13[%swap3A_243], %gather3A_240 {strides = array<i32>} : memref<128xf32, #tpu.memory_space<vmem>>, vector<16xf32>,
    %gather3A_245 = tpu.vector_load_idx %arg11[%sub3A_239] : memref<129xf32, #tpu.memory_space<vmem>>[vector<16xi32>], vector<16xf32>,
    %mul3A_246 = arith.constant 16 : i32
    %mul3A_247 = arith.muli %scan3A_224, %mul3A_246 : i32
    %swap3A_248 = arith.index_cast %mul3A_247 : i32 to index
    %swap3A_249 = tpu.vector_load %arg14[%swap3A_248] {strides = array<i32>} : memref<128xf32, #tpu.memory_space<vmem>>, vector<16xf32>,
    tpu.vector_store %arg14[%swap3A_248], %gather3A_245 {strides = array<i32>} : memref<128xf32, #tpu.memory_space<vmem>>, vector<16xf32>,
    %scan3A_250 = arith.constant 0 : i32
    %scan3A_251 = arith.constant 8 : i32
    %dma_wait3A = tpu.memref_slice %arg2[%mul3A_2] : memref<65536xi32, #tpu.memory_space<hbm>> -> memref<2048xi32, #tpu.memory_space<hbm>>
    %dma_wait3A_252 = tpu.memref_slice %arg2[%mul3A_2] : memref<65536xi32, #tpu.memory_space<hbm>> -> memref<2048xi32, #tpu.memory_space<hbm>>
    tpu.wait_dma2 semaphore(%arg16 : memref<!tpu.dma_semaphore, #tpu.memory_space<semaphore_mem>>) src(%dma_wait3A_252 : memref<2048xi32, #tpu.memory_space<hbm>>) dst(%arg7 : memref<2048xi32, #tpu.memory_space<vmem>>)
    %dma_wait3A_253 = arith.constant 0 : i32
    %dma_wait3A_254 = tpu.memref_slice %arg8[%dma_wait3A_253] : memref<8192xf32, #tpu.memory_space<vmem>> -> memref<4096xf32, #tpu.memory_space<vmem>>
    %dma_wait3A_255 = tpu.memref_slice %arg3[%mul3A_4] : memref<524288xf32, #tpu.memory_space<hbm>> -> memref<4096xf32, #tpu.memory_space<hbm>>
    %dma_wait3A_256 = arith.constant 0 : i32
    %dma_wait3A_257 = tpu.memref_slice %arg8[%dma_wait3A_256] : memref<8192xf32, #tpu.memory_space<vmem>> -> memref<4096xf32, #tpu.memory_space<vmem>>
    %dma_wait3A_258 = tpu.memref_slice %arg3[%mul3A_4] : memref<524288xf32, #tpu.memory_space<hbm>> -> memref<4096xf32, #tpu.memory_space<hbm>>
    tpu.wait_dma2 semaphore(%arg17 : memref<!tpu.dma_semaphore, #tpu.memory_space<semaphore_mem>>) src(%dma_wait3A_258 : memref<4096xf32, #tpu.memory_space<hbm>>) dst(%dma_wait3A_257 : memref<4096xf32, #tpu.memory_space<vmem>>)
    %dma_wait3A_259 = arith.constant 0 : i32
    %dma_wait3A_260 = tpu.memref_slice %arg9[%dma_wait3A_259] : memref<8192xf32, #tpu.memory_space<vmem>> -> memref<4096xf32, #tpu.memory_space<vmem>>
    %dma_wait3A_261 = tpu.memref_slice %arg3[%add3A_13] : memref<524288xf32, #tpu.memory_space<hbm>> -> memref<4096xf32, #tpu.memory_space<hbm>>
    %dma_wait3A_262 = arith.constant 0 : i32
    %dma_wait3A_263 = tpu.memref_slice %arg9[%dma_wait3A_262] : memref<8192xf32, #tpu.memory_space<vmem>> -> memref<4096xf32, #tpu.memory_space<vmem>>
    %dma_wait3A_264 = tpu.memref_slice %arg3[%add3A_13] : memref<524288xf32, #tpu.memory_space<hbm>> -> memref<4096xf32, #tpu.memory_space<hbm>>
    tpu.wait_dma2 semaphore(%arg18 : memref<!tpu.dma_semaphore, #tpu.memory_space<semaphore_mem>>) src(%dma_wait3A_264 : memref<4096xf32, #tpu.memory_space<hbm>>) dst(%dma_wait3A_263 : memref<4096xf32, #tpu.memory_space<vmem>>)
    %parallel_loop3A = arith.constant 0 : i32
    %parallel_loop3A_265 = arith.constant 64 : i32
    %parallel_loop3A_266 = arith.constant 1 : i32
    scf.for %parallel_loop3A_308 = %parallel_loop3A to %parallel_loop3A_265 step %parallel_loop3A_266  : i32 {
      %parallel_loop3A_309 = arith.constant 16 : i32
      %parallel_loop3A_310 = arith.muli %parallel_loop3A_308, %parallel_loop3A_309 : i32
      %parallel_loop3A_311 = arith.index_cast %parallel_loop3A_310 : i32 to index
      %parallel_loop3A_312 = tpu.vector_load %arg7[%parallel_loop3A_311] {strides = array<i32>} : memref<2048xi32, #tpu.memory_space<vmem>>, vector<16xi32>,
      %parallel_loop3A_313 = tpu.vector_load_idx %arg13[%parallel_loop3A_312] : memref<128xf32, #tpu.memory_space<vmem>>[vector<16xi32>], vector<16xf32>,
      %parallel_loop3A_314 = tpu.vector_load_idx %arg14[%parallel_loop3A_312] : memref<128xf32, #tpu.memory_space<vmem>>[vector<16xi32>], vector<16xf32>,
      %parallel_loop3A_315 = arith.constant 8 : i32
      %parallel_loop3A_316 = arith.divsi %parallel_loop3A_308, %parallel_loop3A_315 : i32
      %parallel_loop3A_317 = arith.constant 0 : i32
      %parallel_loop3A_318 = arith.cmpi sgt, %parallel_loop3A_308, %parallel_loop3A_317 : i32
      %parallel_loop3A_319 = arith.extui %parallel_loop3A_318 : i1 to i32
      %parallel_loop3A_320 = arith.constant 0 : i32
      %parallel_loop3A_321 = arith.cmpi slt, %parallel_loop3A_308, %parallel_loop3A_320 : i32
      %parallel_loop3A_322 = arith.extui %parallel_loop3A_321 : i1 to i32
      %parallel_loop3A_323 = arith.subi %parallel_loop3A_319, %parallel_loop3A_322 : i32
      %parallel_loop3A_324 = arith.constant 0 : i32
      %parallel_loop3A_325 = arith.cmpi sgt, %parallel_loop3A_315, %parallel_loop3A_324 : i32
      %parallel_loop3A_326 = arith.extui %parallel_loop3A_325 : i1 to i32
      %parallel_loop3A_327 = arith.constant 0 : i32
      %parallel_loop3A_328 = arith.cmpi slt, %parallel_loop3A_315, %parallel_loop3A_327 : i32
      %parallel_loop3A_329 = arith.extui %parallel_loop3A_328 : i1 to i32
      %parallel_loop3A_330 = arith.subi %parallel_loop3A_326, %parallel_loop3A_329 : i32
      %parallel_loop3A_331 = arith.cmpi ne, %parallel_loop3A_323, %parallel_loop3A_330 : i32
      %parallel_loop3A_332 = arith.remsi %parallel_loop3A_308, %parallel_loop3A_315 : i32
      %parallel_loop3A_333 = arith.constant 0 : i32
      %parallel_loop3A_334 = arith.cmpi ne, %parallel_loop3A_332, %parallel_loop3A_333 : i32
      %parallel_loop3A_335 = arith.andi %parallel_loop3A_331, %parallel_loop3A_334 : i1
      %parallel_loop3A_336 = arith.constant 1 : i32
      %parallel_loop3A_337 = arith.subi %parallel_loop3A_316, %parallel_loop3A_336 : i32
      %parallel_loop3A_338 = arith.select %parallel_loop3A_335, %parallel_loop3A_337, %parallel_loop3A_316 : i32
      %parallel_loop3A_339 = arith.constant 512 : i32
      %parallel_loop3A_340 = arith.muli %parallel_loop3A_338, %parallel_loop3A_339 : i32
      %parallel_loop3A_341 = arith.constant 8 : i32
      %parallel_loop3A_342 = arith.constant 0 : i32
      %parallel_loop3A_343 = arith.cmpi eq, %parallel_loop3A_341, %parallel_loop3A_342 : i32
      %parallel_loop3A_344 = arith.constant 1 : i32
      %parallel_loop3A_345 = arith.select %parallel_loop3A_343, %parallel_loop3A_344, %parallel_loop3A_341 : i32
      %parallel_loop3A_346 = arith.remsi %parallel_loop3A_308, %parallel_loop3A_345 : i32
      %parallel_loop3A_347 = arith.constant 0 : i32
      %parallel_loop3A_348 = arith.cmpi ne, %parallel_loop3A_346, %parallel_loop3A_347 : i32
      %parallel_loop3A_349 = arith.constant 0 : i32
      %parallel_loop3A_350 = arith.cmpi slt, %parallel_loop3A_346, %parallel_loop3A_349 : i32
      %parallel_loop3A_351 = arith.constant 0 : i32
      %parallel_loop3A_352 = arith.cmpi slt, %parallel_loop3A_345, %parallel_loop3A_351 : i32
      %parallel_loop3A_353 = arith.xori %parallel_loop3A_350, %parallel_loop3A_352 : i1
      %parallel_loop3A_354 = arith.andi %parallel_loop3A_353, %parallel_loop3A_348 : i1
      %parallel_loop3A_355 = arith.addi %parallel_loop3A_346, %parallel_loop3A_345 : i32
      %parallel_loop3A_356 = arith.select %parallel_loop3A_354, %parallel_loop3A_355, %parallel_loop3A_346 : i32
      %parallel_loop3A_357 = arith.constant 16 : i32
      %parallel_loop3A_358 = arith.muli %parallel_loop3A_356, %parallel_loop3A_357 : i32
      %parallel_loop3A_359 = arith.addi %parallel_loop3A_340, %parallel_loop3A_358 : i32
      %parallel_loop3A_360 = arith.constant 0 : i32
      %parallel_loop3A_361 = arith.addi %parallel_loop3A_359, %parallel_loop3A_360 : i32
      %parallel_loop3A_362 = arith.index_cast %parallel_loop3A_361 : i32 to index
      %parallel_loop3A_363 = tpu.vector_load %arg8[%parallel_loop3A_362] {strides = array<i32>} : memref<8192xf32, #tpu.memory_space<vmem>>, vector<16xf32>,
      %parallel_loop3A_364 = arith.constant 0 : i32
      %parallel_loop3A_365 = arith.addi %parallel_loop3A_359, %parallel_loop3A_364 : i32
      %parallel_loop3A_366 = arith.index_cast %parallel_loop3A_365 : i32 to index
      %parallel_loop3A_367 = tpu.vector_load %arg9[%parallel_loop3A_366] {strides = array<i32>} : memref<8192xf32, #tpu.memory_space<vmem>>, vector<16xf32>,
      %parallel_loop3A_368 = arith.mulf %parallel_loop3A_363, %parallel_loop3A_313 : vector<16xf32>
      %parallel_loop3A_369 = arith.mulf %parallel_loop3A_367, %parallel_loop3A_314 : vector<16xf32>
      %parallel_loop3A_370 = arith.addf %parallel_loop3A_368, %parallel_loop3A_369 : vector<16xf32>
      %parallel_loop3A_371 = arith.constant 0 : i32
      %parallel_loop3A_372 = arith.addi %parallel_loop3A_359, %parallel_loop3A_371 : i32
      %parallel_loop3A_373 = arith.index_cast %parallel_loop3A_372 : i32 to index
      %parallel_loop3A_374 = tpu.vector_load %arg10[%parallel_loop3A_373] {strides = array<i32>} : memref<8192xf32, #tpu.memory_space<vmem>>, vector<16xf32>,
      tpu.vector_store %arg10[%parallel_loop3A_373], %parallel_loop3A_370 {strides = array<i32>} : memref<8192xf32, #tpu.memory_space<vmem>>, vector<16xf32>,
      %parallel_loop3A_375 = arith.constant 128 : i32
      %parallel_loop3A_376 = arith.addi %parallel_loop3A_359, %parallel_loop3A_375 : i32
      %parallel_loop3A_377 = arith.index_cast %parallel_loop3A_376 : i32 to index
      %parallel_loop3A_378 = tpu.vector_load %arg8[%parallel_loop3A_377] {strides = array<i32>} : memref<8192xf32, #tpu.memory_space<vmem>>, vector<16xf32>,
      %parallel_loop3A_379 = arith.constant 128 : i32
      %parallel_loop3A_380 = arith.addi %parallel_loop3A_359, %parallel_loop3A_379 : i32
      %parallel_loop3A_381 = arith.index_cast %parallel_loop3A_380 : i32 to index
      %parallel_loop3A_382 = tpu.vector_load %arg9[%parallel_loop3A_381] {strides = array<i32>} : memref<8192xf32, #tpu.memory_space<vmem>>, vector<16xf32>,
      %parallel_loop3A_383 = arith.mulf %parallel_loop3A_378, %parallel_loop3A_313 : vector<16xf32>
      %parallel_loop3A_384 = arith.mulf %parallel_loop3A_382, %parallel_loop3A_314 : vector<16xf32>
      %parallel_loop3A_385 = arith.addf %parallel_loop3A_383, %parallel_loop3A_384 : vector<16xf32>
      %parallel_loop3A_386 = arith.constant 128 : i32
      %parallel_loop3A_387 = arith.addi %parallel_loop3A_359, %parallel_loop3A_386 : i32
      %parallel_loop3A_388 = arith.index_cast %parallel_loop3A_387 : i32 to index
      %parallel_loop3A_389 = tpu.vector_load %arg10[%parallel_loop3A_388] {strides = array<i32>} : memref<8192xf32, #tpu.memory_space<vmem>>, vector<16xf32>,
      tpu.vector_store %arg10[%parallel_loop3A_388], %parallel_loop3A_385 {strides = array<i32>} : memref<8192xf32, #tpu.memory_space<vmem>>, vector<16xf32>,
      %parallel_loop3A_390 = arith.constant 256 : i32
      %parallel_loop3A_391 = arith.addi %parallel_loop3A_359, %parallel_loop3A_390 : i32
      %parallel_loop3A_392 = arith.index_cast %parallel_loop3A_391 : i32 to index
      %parallel_loop3A_393 = tpu.vector_load %arg8[%parallel_loop3A_392] {strides = array<i32>} : memref<8192xf32, #tpu.memory_space<vmem>>, vector<16xf32>,
      %parallel_loop3A_394 = arith.constant 256 : i32
      %parallel_loop3A_395 = arith.addi %parallel_loop3A_359, %parallel_loop3A_394 : i32
      %parallel_loop3A_396 = arith.index_cast %parallel_loop3A_395 : i32 to index
      %parallel_loop3A_397 = tpu.vector_load %arg9[%parallel_loop3A_396] {strides = array<i32>} : memref<8192xf32, #tpu.memory_space<vmem>>, vector<16xf32>,
      %parallel_loop3A_398 = arith.mulf %parallel_loop3A_393, %parallel_loop3A_313 : vector<16xf32>
      %parallel_loop3A_399 = arith.mulf %parallel_loop3A_397, %parallel_loop3A_314 : vector<16xf32>
      %parallel_loop3A_400 = arith.addf %parallel_loop3A_398, %parallel_loop3A_399 : vector<16xf32>
      %parallel_loop3A_401 = arith.constant 256 : i32
      %parallel_loop3A_402 = arith.addi %parallel_loop3A_359, %parallel_loop3A_401 : i32
      %parallel_loop3A_403 = arith.index_cast %parallel_loop3A_402 : i32 to index
      %parallel_loop3A_404 = tpu.vector_load %arg10[%parallel_loop3A_403] {strides = array<i32>} : memref<8192xf32, #tpu.memory_space<vmem>>, vector<16xf32>,
      tpu.vector_store %arg10[%parallel_loop3A_403], %parallel_loop3A_400 {strides = array<i32>} : memref<8192xf32, #tpu.memory_space<vmem>>, vector<16xf32>,
      %parallel_loop3A_405 = arith.constant 384 : i32
      %parallel_loop3A_406 = arith.addi %parallel_loop3A_359, %parallel_loop3A_405 : i32
      %parallel_loop3A_407 = arith.index_cast %parallel_loop3A_406 : i32 to index
      %parallel_loop3A_408 = tpu.vector_load %arg8[%parallel_loop3A_407] {strides = array<i32>} : memref<8192xf32, #tpu.memory_space<vmem>>, vector<16xf32>,
      %parallel_loop3A_409 = arith.constant 384 : i32
      %parallel_loop3A_410 = arith.addi %parallel_loop3A_359, %parallel_loop3A_409 : i32
      %parallel_loop3A_411 = arith.index_cast %parallel_loop3A_410 : i32 to index
      %parallel_loop3A_412 = tpu.vector_load %arg9[%parallel_loop3A_411] {strides = array<i32>} : memref<8192xf32, #tpu.memory_space<vmem>>, vector<16xf32>,
      %parallel_loop3A_413 = arith.mulf %parallel_loop3A_408, %parallel_loop3A_313 : vector<16xf32>
      %parallel_loop3A_414 = arith.mulf %parallel_loop3A_412, %parallel_loop3A_314 : vector<16xf32>
      %parallel_loop3A_415 = arith.addf %parallel_loop3A_413, %parallel_loop3A_414 : vector<16xf32>
      %parallel_loop3A_416 = arith.constant 384 : i32
      %parallel_loop3A_417 = arith.addi %parallel_loop3A_359, %parallel_loop3A_416 : i32
      %parallel_loop3A_418 = arith.index_cast %parallel_loop3A_417 : i32 to index
      %parallel_loop3A_419 = tpu.vector_load %arg10[%parallel_loop3A_418] {strides = array<i32>} : memref<8192xf32, #tpu.memory_space<vmem>>, vector<16xf32>,
      tpu.vector_store %arg10[%parallel_loop3A_418], %parallel_loop3A_415 {strides = array<i32>} : memref<8192xf32, #tpu.memory_space<vmem>>, vector<16xf32>,
    } {sc.loop_unroll_factor = 1 : i64, sc.parallel_access}
    %dma_start3A_267 = arith.constant 0 : i32
    %dma_start3A_268 = tpu.memref_slice %arg10[%dma_start3A_267] : memref<8192xf32, #tpu.memory_space<vmem>> -> memref<4096xf32, #tpu.memory_space<vmem>>
    %dma_start3A_269 = tpu.memref_slice %arg6[%mul3A_4] : memref<262144xf32, #tpu.memory_space<hbm>> -> memref<4096xf32, #tpu.memory_space<hbm>>
    %dma_start3A_270 = tpu.memref_slice %arg6[%mul3A_4] : memref<262144xf32, #tpu.memory_space<hbm>> -> memref<4096xf32, #tpu.memory_space<hbm>>
    %dma_start3A_271 = arith.constant 0 : i32
    %dma_start3A_272 = tpu.memref_slice %arg10[%dma_start3A_271] : memref<8192xf32, #tpu.memory_space<vmem>> -> memref<4096xf32, #tpu.memory_space<vmem>>
    tpu.enqueue_dma source(%dma_start3A_272 : memref<4096xf32, #tpu.memory_space<vmem>>) target(%dma_start3A_270 : memref<4096xf32, #tpu.memory_space<hbm>>) target_semaphore(%arg19 : memref<!tpu.dma_semaphore, #tpu.memory_space<semaphore_mem>>)
    %dma_wait3A_273 = arith.constant 4096 : i32
    %dma_wait3A_274 = tpu.memref_slice %arg8[%dma_wait3A_273] : memref<8192xf32, #tpu.memory_space<vmem>> -> memref<4096xf32, #tpu.memory_space<vmem>>
    %dma_wait3A_275 = tpu.memref_slice %arg3[%add3A_21] : memref<524288xf32, #tpu.memory_space<hbm>> -> memref<4096xf32, #tpu.memory_space<hbm>>
    %dma_wait3A_276 = arith.constant 4096 : i32
    %dma_wait3A_277 = tpu.memref_slice %arg8[%dma_wait3A_276] : memref<8192xf32, #tpu.memory_space<vmem>> -> memref<4096xf32, #tpu.memory_space<vmem>>
    %dma_wait3A_278 = tpu.memref_slice %arg3[%add3A_21] : memref<524288xf32, #tpu.memory_space<hbm>> -> memref<4096xf32, #tpu.memory_space<hbm>>
    tpu.wait_dma2 semaphore(%arg17 : memref<!tpu.dma_semaphore, #tpu.memory_space<semaphore_mem>>) src(%dma_wait3A_278 : memref<4096xf32, #tpu.memory_space<hbm>>) dst(%dma_wait3A_277 : memref<4096xf32, #tpu.memory_space<vmem>>)
    %dma_wait3A_279 = arith.constant 4096 : i32
    %dma_wait3A_280 = tpu.memref_slice %arg9[%dma_wait3A_279] : memref<8192xf32, #tpu.memory_space<vmem>> -> memref<4096xf32, #tpu.memory_space<vmem>>
    %dma_wait3A_281 = tpu.memref_slice %arg3[%add3A_31] : memref<524288xf32, #tpu.memory_space<hbm>> -> memref<4096xf32, #tpu.memory_space<hbm>>
    %dma_wait3A_282 = arith.constant 4096 : i32
    %dma_wait3A_283 = tpu.memref_slice %arg9[%dma_wait3A_282] : memref<8192xf32, #tpu.memory_space<vmem>> -> memref<4096xf32, #tpu.memory_space<vmem>>
    %dma_wait3A_284 = tpu.memref_slice %arg3[%add3A_31] : memref<524288xf32, #tpu.memory_space<hbm>> -> memref<4096xf32, #tpu.memory_space<hbm>>
    tpu.wait_dma2 semaphore(%arg18 : memref<!tpu.dma_semaphore, #tpu.memory_space<semaphore_mem>>) src(%dma_wait3A_284 : memref<4096xf32, #tpu.memory_space<hbm>>) dst(%dma_wait3A_283 : memref<4096xf32, #tpu.memory_space<vmem>>)
    %parallel_loop3A_285 = arith.constant 64 : i32
    %parallel_loop3A_286 = arith.constant 128 : i32
    %parallel_loop3A_287 = arith.constant 1 : i32
    scf.for %parallel_loop3A_308 = %parallel_loop3A_285 to %parallel_loop3A_286 step %parallel_loop3A_287  : i32 {
      %parallel_loop3A_309 = arith.constant 16 : i32
      %parallel_loop3A_310 = arith.muli %parallel_loop3A_308, %parallel_loop3A_309 : i32
      %parallel_loop3A_311 = arith.index_cast %parallel_loop3A_310 : i32 to index
      %parallel_loop3A_312 = tpu.vector_load %arg7[%parallel_loop3A_311] {strides = array<i32>} : memref<2048xi32, #tpu.memory_space<vmem>>, vector<16xi32>,
      %parallel_loop3A_313 = tpu.vector_load_idx %arg13[%parallel_loop3A_312] : memref<128xf32, #tpu.memory_space<vmem>>[vector<16xi32>], vector<16xf32>,
      %parallel_loop3A_314 = tpu.vector_load_idx %arg14[%parallel_loop3A_312] : memref<128xf32, #tpu.memory_space<vmem>>[vector<16xi32>], vector<16xf32>,
      %parallel_loop3A_315 = arith.constant 8 : i32
      %parallel_loop3A_316 = arith.divsi %parallel_loop3A_308, %parallel_loop3A_315 : i32
      %parallel_loop3A_317 = arith.constant 0 : i32
      %parallel_loop3A_318 = arith.cmpi sgt, %parallel_loop3A_308, %parallel_loop3A_317 : i32
      %parallel_loop3A_319 = arith.extui %parallel_loop3A_318 : i1 to i32
      %parallel_loop3A_320 = arith.constant 0 : i32
      %parallel_loop3A_321 = arith.cmpi slt, %parallel_loop3A_308, %parallel_loop3A_320 : i32
      %parallel_loop3A_322 = arith.extui %parallel_loop3A_321 : i1 to i32
      %parallel_loop3A_323 = arith.subi %parallel_loop3A_319, %parallel_loop3A_322 : i32
      %parallel_loop3A_324 = arith.constant 0 : i32
      %parallel_loop3A_325 = arith.cmpi sgt, %parallel_loop3A_315, %parallel_loop3A_324 : i32
      %parallel_loop3A_326 = arith.extui %parallel_loop3A_325 : i1 to i32
      %parallel_loop3A_327 = arith.constant 0 : i32
      %parallel_loop3A_328 = arith.cmpi slt, %parallel_loop3A_315, %parallel_loop3A_327 : i32
      %parallel_loop3A_329 = arith.extui %parallel_loop3A_328 : i1 to i32
      %parallel_loop3A_330 = arith.subi %parallel_loop3A_326, %parallel_loop3A_329 : i32
      %parallel_loop3A_331 = arith.cmpi ne, %parallel_loop3A_323, %parallel_loop3A_330 : i32
      %parallel_loop3A_332 = arith.remsi %parallel_loop3A_308, %parallel_loop3A_315 : i32
      %parallel_loop3A_333 = arith.constant 0 : i32
      %parallel_loop3A_334 = arith.cmpi ne, %parallel_loop3A_332, %parallel_loop3A_333 : i32
      %parallel_loop3A_335 = arith.andi %parallel_loop3A_331, %parallel_loop3A_334 : i1
      %parallel_loop3A_336 = arith.constant 1 : i32
      %parallel_loop3A_337 = arith.subi %parallel_loop3A_316, %parallel_loop3A_336 : i32
      %parallel_loop3A_338 = arith.select %parallel_loop3A_335, %parallel_loop3A_337, %parallel_loop3A_316 : i32
      %parallel_loop3A_339 = arith.constant 512 : i32
      %parallel_loop3A_340 = arith.muli %parallel_loop3A_338, %parallel_loop3A_339 : i32
      %parallel_loop3A_341 = arith.constant 8 : i32
      %parallel_loop3A_342 = arith.constant 0 : i32
      %parallel_loop3A_343 = arith.cmpi eq, %parallel_loop3A_341, %parallel_loop3A_342 : i32
      %parallel_loop3A_344 = arith.constant 1 : i32
      %parallel_loop3A_345 = arith.select %parallel_loop3A_343, %parallel_loop3A_344, %parallel_loop3A_341 : i32
      %parallel_loop3A_346 = arith.remsi %parallel_loop3A_308, %parallel_loop3A_345 : i32
      %parallel_loop3A_347 = arith.constant 0 : i32
      %parallel_loop3A_348 = arith.cmpi ne, %parallel_loop3A_346, %parallel_loop3A_347 : i32
      %parallel_loop3A_349 = arith.constant 0 : i32
      %parallel_loop3A_350 = arith.cmpi slt, %parallel_loop3A_346, %parallel_loop3A_349 : i32
      %parallel_loop3A_351 = arith.constant 0 : i32
      %parallel_loop3A_352 = arith.cmpi slt, %parallel_loop3A_345, %parallel_loop3A_351 : i32
      %parallel_loop3A_353 = arith.xori %parallel_loop3A_350, %parallel_loop3A_352 : i1
      %parallel_loop3A_354 = arith.andi %parallel_loop3A_353, %parallel_loop3A_348 : i1
      %parallel_loop3A_355 = arith.addi %parallel_loop3A_346, %parallel_loop3A_345 : i32
      %parallel_loop3A_356 = arith.select %parallel_loop3A_354, %parallel_loop3A_355, %parallel_loop3A_346 : i32
      %parallel_loop3A_357 = arith.constant 16 : i32
      %parallel_loop3A_358 = arith.muli %parallel_loop3A_356, %parallel_loop3A_357 : i32
      %parallel_loop3A_359 = arith.addi %parallel_loop3A_340, %parallel_loop3A_358 : i32
      %parallel_loop3A_360 = arith.constant 0 : i32
      %parallel_loop3A_361 = arith.addi %parallel_loop3A_359, %parallel_loop3A_360 : i32
      %parallel_loop3A_362 = arith.index_cast %parallel_loop3A_361 : i32 to index
      %parallel_loop3A_363 = tpu.vector_load %arg8[%parallel_loop3A_362] {strides = array<i32>} : memref<8192xf32, #tpu.memory_space<vmem>>, vector<16xf32>,
      %parallel_loop3A_364 = arith.constant 0 : i32
      %parallel_loop3A_365 = arith.addi %parallel_loop3A_359, %parallel_loop3A_364 : i32
      %parallel_loop3A_366 = arith.index_cast %parallel_loop3A_365 : i32 to index
      %parallel_loop3A_367 = tpu.vector_load %arg9[%parallel_loop3A_366] {strides = array<i32>} : memref<8192xf32, #tpu.memory_space<vmem>>, vector<16xf32>,
      %parallel_loop3A_368 = arith.mulf %parallel_loop3A_363, %parallel_loop3A_313 : vector<16xf32>
      %parallel_loop3A_369 = arith.mulf %parallel_loop3A_367, %parallel_loop3A_314 : vector<16xf32>
      %parallel_loop3A_370 = arith.addf %parallel_loop3A_368, %parallel_loop3A_369 : vector<16xf32>
      %parallel_loop3A_371 = arith.constant 0 : i32
      %parallel_loop3A_372 = arith.addi %parallel_loop3A_359, %parallel_loop3A_371 : i32
      %parallel_loop3A_373 = arith.index_cast %parallel_loop3A_372 : i32 to index
      %parallel_loop3A_374 = tpu.vector_load %arg10[%parallel_loop3A_373] {strides = array<i32>} : memref<8192xf32, #tpu.memory_space<vmem>>, vector<16xf32>,
      tpu.vector_store %arg10[%parallel_loop3A_373], %parallel_loop3A_370 {strides = array<i32>} : memref<8192xf32, #tpu.memory_space<vmem>>, vector<16xf32>,
      %parallel_loop3A_375 = arith.constant 128 : i32
      %parallel_loop3A_376 = arith.addi %parallel_loop3A_359, %parallel_loop3A_375 : i32
      %parallel_loop3A_377 = arith.index_cast %parallel_loop3A_376 : i32 to index
      %parallel_loop3A_378 = tpu.vector_load %arg8[%parallel_loop3A_377] {strides = array<i32>} : memref<8192xf32, #tpu.memory_space<vmem>>, vector<16xf32>,
      %parallel_loop3A_379 = arith.constant 128 : i32
      %parallel_loop3A_380 = arith.addi %parallel_loop3A_359, %parallel_loop3A_379 : i32
      %parallel_loop3A_381 = arith.index_cast %parallel_loop3A_380 : i32 to index
      %parallel_loop3A_382 = tpu.vector_load %arg9[%parallel_loop3A_381] {strides = array<i32>} : memref<8192xf32, #tpu.memory_space<vmem>>, vector<16xf32>,
      %parallel_loop3A_383 = arith.mulf %parallel_loop3A_378, %parallel_loop3A_313 : vector<16xf32>
      %parallel_loop3A_384 = arith.mulf %parallel_loop3A_382, %parallel_loop3A_314 : vector<16xf32>
      %parallel_loop3A_385 = arith.addf %parallel_loop3A_383, %parallel_loop3A_384 : vector<16xf32>
      %parallel_loop3A_386 = arith.constant 128 : i32
      %parallel_loop3A_387 = arith.addi %parallel_loop3A_359, %parallel_loop3A_386 : i32
      %parallel_loop3A_388 = arith.index_cast %parallel_loop3A_387 : i32 to index
      %parallel_loop3A_389 = tpu.vector_load %arg10[%parallel_loop3A_388] {strides = array<i32>} : memref<8192xf32, #tpu.memory_space<vmem>>, vector<16xf32>,
      tpu.vector_store %arg10[%parallel_loop3A_388], %parallel_loop3A_385 {strides = array<i32>} : memref<8192xf32, #tpu.memory_space<vmem>>, vector<16xf32>,
      %parallel_loop3A_390 = arith.constant 256 : i32
      %parallel_loop3A_391 = arith.addi %parallel_loop3A_359, %parallel_loop3A_390 : i32
      %parallel_loop3A_392 = arith.index_cast %parallel_loop3A_391 : i32 to index
      %parallel_loop3A_393 = tpu.vector_load %arg8[%parallel_loop3A_392] {strides = array<i32>} : memref<8192xf32, #tpu.memory_space<vmem>>, vector<16xf32>,
      %parallel_loop3A_394 = arith.constant 256 : i32
      %parallel_loop3A_395 = arith.addi %parallel_loop3A_359, %parallel_loop3A_394 : i32
      %parallel_loop3A_396 = arith.index_cast %parallel_loop3A_395 : i32 to index
      %parallel_loop3A_397 = tpu.vector_load %arg9[%parallel_loop3A_396] {strides = array<i32>} : memref<8192xf32, #tpu.memory_space<vmem>>, vector<16xf32>,
      %parallel_loop3A_398 = arith.mulf %parallel_loop3A_393, %parallel_loop3A_313 : vector<16xf32>
      %parallel_loop3A_399 = arith.mulf %parallel_loop3A_397, %parallel_loop3A_314 : vector<16xf32>
      %parallel_loop3A_400 = arith.addf %parallel_loop3A_398, %parallel_loop3A_399 : vector<16xf32>
      %parallel_loop3A_401 = arith.constant 256 : i32
      %parallel_loop3A_402 = arith.addi %parallel_loop3A_359, %parallel_loop3A_401 : i32
      %parallel_loop3A_403 = arith.index_cast %parallel_loop3A_402 : i32 to index
      %parallel_loop3A_404 = tpu.vector_load %arg10[%parallel_loop3A_403] {strides = array<i32>} : memref<8192xf32, #tpu.memory_space<vmem>>, vector<16xf32>,
      tpu.vector_store %arg10[%parallel_loop3A_403], %parallel_loop3A_400 {strides = array<i32>} : memref<8192xf32, #tpu.memory_space<vmem>>, vector<16xf32>,
      %parallel_loop3A_405 = arith.constant 384 : i32
      %parallel_loop3A_406 = arith.addi %parallel_loop3A_359, %parallel_loop3A_405 : i32
      %parallel_loop3A_407 = arith.index_cast %parallel_loop3A_406 : i32 to index
      %parallel_loop3A_408 = tpu.vector_load %arg8[%parallel_loop3A_407] {strides = array<i32>} : memref<8192xf32, #tpu.memory_space<vmem>>, vector<16xf32>,
      %parallel_loop3A_409 = arith.constant 384 : i32
      %parallel_loop3A_410 = arith.addi %parallel_loop3A_359, %parallel_loop3A_409 : i32
      %parallel_loop3A_411 = arith.index_cast %parallel_loop3A_410 : i32 to index
      %parallel_loop3A_412 = tpu.vector_load %arg9[%parallel_loop3A_411] {strides = array<i32>} : memref<8192xf32, #tpu.memory_space<vmem>>, vector<16xf32>,
      %parallel_loop3A_413 = arith.mulf %parallel_loop3A_408, %parallel_loop3A_313 : vector<16xf32>
      %parallel_loop3A_414 = arith.mulf %parallel_loop3A_412, %parallel_loop3A_314 : vector<16xf32>
      %parallel_loop3A_415 = arith.addf %parallel_loop3A_413, %parallel_loop3A_414 : vector<16xf32>
      %parallel_loop3A_416 = arith.constant 384 : i32
      %parallel_loop3A_417 = arith.addi %parallel_loop3A_359, %parallel_loop3A_416 : i32
      %parallel_loop3A_418 = arith.index_cast %parallel_loop3A_417 : i32 to index
      %parallel_loop3A_419 = tpu.vector_load %arg10[%parallel_loop3A_418] {strides = array<i32>} : memref<8192xf32, #tpu.memory_space<vmem>>, vector<16xf32>,
      tpu.vector_store %arg10[%parallel_loop3A_418], %parallel_loop3A_415 {strides = array<i32>} : memref<8192xf32, #tpu.memory_space<vmem>>, vector<16xf32>,
    } {sc.loop_unroll_factor = 1 : i64, sc.parallel_access}
    %add3A_288 = arith.constant 4096 : i32
    %add3A_289 = arith.addi %mul3A_4, %add3A_288 : i32
    %dma_start3A_290 = arith.constant 4096 : i32
    %dma_start3A_291 = tpu.memref_slice %arg10[%dma_start3A_290] : memref<8192xf32, #tpu.memory_space<vmem>> -> memref<4096xf32, #tpu.memory_space<vmem>>
    %dma_start3A_292 = tpu.memref_slice %arg6[%add3A_289] : memref<262144xf32, #tpu.memory_space<hbm>> -> memref<4096xf32, #tpu.memory_space<hbm>>
    %dma_start3A_293 = tpu.memref_slice %arg6[%add3A_289] : memref<262144xf32, #tpu.memory_space<hbm>> -> memref<4096xf32, #tpu.memory_space<hbm>>
    %dma_start3A_294 = arith.constant 4096 : i32
    %dma_start3A_295 = tpu.memref_slice %arg10[%dma_start3A_294] : memref<8192xf32, #tpu.memory_space<vmem>> -> memref<4096xf32, #tpu.memory_space<vmem>>
    tpu.enqueue_dma source(%dma_start3A_295 : memref<4096xf32, #tpu.memory_space<vmem>>) target(%dma_start3A_293 : memref<4096xf32, #tpu.memory_space<hbm>>) target_semaphore(%arg19 : memref<!tpu.dma_semaphore, #tpu.memory_space<semaphore_mem>>)
    %dma_wait3A_296 = arith.constant 0 : i32
    %dma_wait3A_297 = tpu.memref_slice %arg10[%dma_wait3A_296] : memref<8192xf32, #tpu.memory_space<vmem>> -> memref<4096xf32, #tpu.memory_space<vmem>>
    %dma_wait3A_298 = tpu.memref_slice %arg6[%mul3A_4] : memref<262144xf32, #tpu.memory_space<hbm>> -> memref<4096xf32, #tpu.memory_space<hbm>>
    %dma_wait3A_299 = tpu.memref_slice %arg6[%mul3A_4] : memref<262144xf32, #tpu.memory_space<hbm>> -> memref<4096xf32, #tpu.memory_space<hbm>>
    %dma_wait3A_300 = arith.constant 0 : i32
    %dma_wait3A_301 = tpu.memref_slice %arg10[%dma_wait3A_300] : memref<8192xf32, #tpu.memory_space<vmem>> -> memref<4096xf32, #tpu.memory_space<vmem>>
    tpu.wait_dma2 semaphore(%arg19 : memref<!tpu.dma_semaphore, #tpu.memory_space<semaphore_mem>>) src(%dma_wait3A_301 : memref<4096xf32, #tpu.memory_space<vmem>>) dst(%dma_wait3A_299 : memref<4096xf32, #tpu.memory_space<hbm>>)
    %dma_wait3A_302 = arith.constant 4096 : i32
    %dma_wait3A_303 = tpu.memref_slice %arg10[%dma_wait3A_302] : memref<8192xf32, #tpu.memory_space<vmem>> -> memref<4096xf32, #tpu.memory_space<vmem>>
    %dma_wait3A_304 = tpu.memref_slice %arg6[%add3A_289] : memref<262144xf32, #tpu.memory_space<hbm>> -> memref<4096xf32, #tpu.memory_space<hbm>>
    %dma_wait3A_305 = tpu.memref_slice %arg6[%add3A_289] : memref<262144xf32, #tpu.memory_space<hbm>> -> memref<4096xf32, #tpu.memory_space<hbm>>
    %dma_wait3A_306 = arith.constant 4096 : i32
    %dma_wait3A_307 = tpu.memref_slice %arg10[%dma_wait3A_306] : memref<8192xf32, #tpu.memory_space<vmem>> -> memref<4096xf32, #tpu.memory_space<vmem>>
    tpu.wait_dma2 semaphore(%arg19 : memref<!tpu.dma_semaphore, #tpu.memory_space<semaphore_mem>>) src(%dma_wait3A_307 : memref<4096xf32, #tpu.memory_space<vmem>>) dst(%dma_wait3A_305 : memref<4096xf32, #tpu.memory_space<hbm>>)
    return
  }
}

</mosaic_0001>

<sc_bundles>
// kernel: _run.3.cloned.1.call-start
scs
__scs_entry_jumppad:
0x0: {  	(pc) =	sbr.rel $0x88, $3  }
0x1: {  	(tag) =	ssettag $0x0;
	lr =	simm.s32 $0x1  }
0x2: {  	[smem:$0x3F9D] =	sst lr;
	_ =	strace $0xD0000000  }
0x3: {  	_ = 	snop  }
0x4: {  	_ = 	snop  }
0x5: {  	_ = 	snop  }
0x6: {  	_ = 	snop  }
0x7: {  	_ = 	snop  }
__scs_overlays_trampoline_lowered:
0x8: {  	[smem:$0x3FAC] =	sst s0  }
0x9: {  	[smem:$0x3FAD] =	sst s1  }
0xa: {  	[smem:$0x3FAE] =	sst s2  }
0xb: {  	[smem:$0x3FAF] =	sst s3  }
0xc: {  	[smem:$0x3FB0] =	sst s4  }
0xd: {  	[smem:$0x3FB1] =	sst s5  }
0xe: {  	[smem:$0x3FB2] =	sst s6  }
0xf: {  	[smem:$0x3FB3] =	sst s7  }
0x10: {  	[smem:$0x3FB4] =	sst s8  }
0x11: {  	[smem:$0x3FB5] =	sst s9;
	s0 =	simm.s32 @!p0 $0x0  }
0x12: {  	s1 =	sld [smem:$0x3F9B];
	s0 =	simm.s32 @p0 $0x1  }
0x13: {  	[smem:$0x3FB6] =	sst s0;
	s0 =	simm.s32 @!p1 $0x0  }
0x14: {  	s2 =	sld [smem:$0x3F9A];
	s0 =	simm.s32 @p1 $0x1  }
0x15: {  	[smem:$0x3FB7] =	sst s0;
	s0 =	simm.s32 @!p2 $0x0  }
0x16: {  	s3 =	sld [smem:$0x3FDB];
	s0 =	simm.s32 @p2 $0x1  }
0x17: {  	s4 =	simm.s32 $0x1BF5;
	[smem:$0x3FB9] =	sst s0  }
0x18: {  	s0 =	sld [smem:$0x3F9C];
	_ =	swait.ge [sflag:s4], $0x0  }
0x19: {  	s7 =	sld [smem:$0x3F9D]  }
0x1a: {  	s8 =	sadd.s32 $0xFFFFE003, lr  }
0x1b: {  	s9 =	sadd.s32 $0xFFFFFEF7, lr;
	s5 =	simm.s32 $0xFFFFFFFF;
	p2 =	slt.u32 s8, $0xFFFFF086  }
0x1c: {  	p1 =	slt.u32 s9, $0xF7A;
	s5 =	simm.s32 @!p2 $0x0  }
0x1d: {  	s5 =	simm.s32 @p1 $0x1;
	p0 =	seq.s32 s7, s2  }
0x1e: {  	s7 =	smul.u32 @!p0 $0xF7A, s2;
	p2 =	seq.s32 @!p0 s5, $0x0  }
0x1f: {  	s9 =	smul.u32 $0xF7A, s1;
	s8 =	simm.s32 @!p0 $0x1BF5;
	p2 =	por !p2, p0  }
0x20: {  	[sflag:s8] =	ssyncset.s32 @!p0 $0xFFFFF086;
	s6 =	sadd.s32 @!p0 s3, s7;
	s7 =	simm.s32 @!p0 $0x108  }
0x21: {  	s3 =	sadd.s32 s3, s9;
	s6 =	sadd.s32 @!p0 $0x88, s6;
	s7 =	simm.s32 @p2 $0x1082  }
0x22: {  	[simem:s7], [sflag:s8] =	dma.local @!p0 [hbm:s6], $0xF7A  }
0x23: {  	s9 =	sor.u32 $0xD0000000, s2;
	s6 =	simm.s32 $0x108;
	_ =	swait.ge @!p0 [sflag:s8], $0x0  }
0x24: {  	s3 =	sadd.s32 $0x88, s3;
	s6 =	simm.s32 @!p1 $0x1082;
	[sflag:s4] =	ssyncset.s32 $0xFFFFF086  }
0x25: {  	[simem:s6], [sflag:s4] =	dma.local [hbm:s3], $0xF7A  }
0x26: {  	[smem:$0x3F9D] =	sst s1;
	(tag) =	ssettag s2;
	_ =	strace s9  }
0x27: {  	s1 =	sld [smem:$0x3FAD]  }
0x28: {  	s2 =	sld [smem:$0x3FAE]  }
0x29: {  	s4 =	sld [smem:$0x3FB0]  }
0x2a: {  	p0 =	seq.s32 s5, $0x0;
	s5 =	sld [smem:$0x3FB1]  }
0x2b: {  	s6 =	sld [smem:$0x3FB2]  }
0x2c: {  	s7 =	sld [smem:$0x3FB3]  }
0x2d: {  	s3 =	simm.s32 $0x108;
	s8 =	sld [smem:$0x3FB4]  }
0x2e: {  	s3 =	simm.s32 @!p0 $0x1082;
	s9 =	sld [smem:$0x3FB5]  }
0x2f: {  	lr =	sadd.s32 s0, s3;
	s0 =	sld [smem:$0x3FAC]  }
0x30: {  	s3 =	sld [smem:$0x3FAF]  }
0x31: {  	[smem:$0x3FB8] =	sst s10  }
0x32: {  	s10 =	sld [smem:$0x3FB6];
	_ =	sdelay $0x3  }
0x33: {  	p0 =	seq.s32 s10, $0x1;
	s10 =	sld [smem:$0x3FB8];
	_ =	sdelay $0x3  }
0x34: {  	[smem:$0x3FB8] =	sst s10  }
0x35: {  	s10 =	sld [smem:$0x3FB7];
	_ =	sdelay $0x3  }
0x36: {  	p1 =	seq.s32 s10, $0x1;
	s10 =	sld [smem:$0x3FB8];
	_ =	sdelay $0x3  }
0x37: {  	[smem:$0x3FB8] =	sst s10  }
0x38: {  	s10 =	sld [smem:$0x3FB9]  }
0x39: {  	_ = 	snop;
	(pc) =	sbr.ind lr, $3  }
0x3a: {  	_ = 	snop  }
0x3b: {  	_ = 	snop  }
0x3c: {  	p2 =	seq.s32 s10, $0x1;
	s10 =	sld [smem:$0x3FB8]  }
0x3d: {  	_ =	shalt  }
0x3e: {  	_ =	shalt  }
0x3f: {  	_ =	shalt  }
0x40: {  	_ =	shalt  }
0x41: {  	_ =	shalt  }
0x42: {  	_ =	shalt  }
0x43: {  	_ =	shalt  }
0x44: {  	_ =	shalt  }
0x45: {  	_ =	shalt  }
0x46: {  	_ =	shalt  }
0x47: {  	_ =	shalt  }
0x48: {  	_ =	shalt  }
0x49: {  	_ =	shalt  }
0x4a: {  	_ =	shalt  }
0x4b: {  	_ =	shalt  }
0x4c: {  	_ =	shalt  }
0x4d: {  	_ =	shalt  }
0x4e: {  	_ =	shalt  }
0x4f: {  	_ =	shalt  }
0x50: {  	_ =	shalt  }
0x51: {  	_ =	shalt  }
0x52: {  	_ =	shalt  }
0x53: {  	_ =	shalt  }
0x54: {  	_ =	shalt  }
0x55: {  	_ =	shalt  }
0x56: {  	_ =	shalt  }
0x57: {  	_ =	shalt  }
0x58: {  	_ =	shalt  }
0x59: {  	_ =	shalt  }
0x5a: {  	_ =	shalt  }
0x5b: {  	_ =	shalt  }
0x5c: {  	_ =	shalt  }
0x5d: {  	_ =	shalt  }
0x5e: {  	_ =	shalt  }
0x5f: {  	_ =	shalt  }
0x60: {  	_ =	shalt  }
0x61: {  	_ =	shalt  }
0x62: {  	_ =	shalt  }
0x63: {  	_ =	shalt  }
0x64: {  	_ =	shalt  }
0x65: {  	_ =	shalt  }
0x66: {  	_ =	shalt  }
0x67: {  	_ =	shalt  }
0x68: {  	_ =	shalt  }
0x69: {  	_ =	shalt  }
0x6a: {  	_ =	shalt  }
0x6b: {  	_ =	shalt  }
0x6c: {  	_ =	shalt  }
0x6d: {  	_ =	shalt  }
0x6e: {  	_ =	shalt  }
0x6f: {  	_ =	shalt  }
0x70: {  	_ =	shalt  }
0x71: {  	_ =	shalt  }
0x72: {  	_ =	shalt  }
0x73: {  	_ =	shalt  }
0x74: {  	_ =	shalt  }
0x75: {  	_ =	shalt  }
0x76: {  	_ =	shalt  }
0x77: {  	_ =	shalt  }
0x78: {  	_ =	shalt  }
0x79: {  	_ =	shalt  }
0x7a: {  	_ =	shalt  }
0x7b: {  	_ =	shalt  }
0x7c: {  	_ =	shalt  }
0x7d: {  	_ =	shalt  }
0x7e: {  	_ =	shalt  }
0x7f: {  	_ =	shalt  }
0x80: {  	_ =	shalt  }
0x81: {  	_ =	shalt  }
0x82: {  	_ =	shalt  }
0x83: {  	_ =	shalt  }
0x84: {  	_ =	shalt  }
0x85: {  	_ =	shalt  }
0x86: {  	_ =	shalt  }
0x87: {  	_ =	shalt  }
.Lfunc_end0:
.L_simem_size_0:
called_computation_lowered:
.L_overlay_start_0:
0x88: {  	s2 =	sld [smem:$0x3FD9]  }
0x89: {  	s3 =	sld [smem:$0x3FFE];
	_ =	sdelay $0x1  }
0x8a: {  	s1 =	srdreg.scid  }
0x8b: {  	s0 =	sand.u32 $0x1, s1  }
0x8c: {  	s18 =	sshll.u32 s0, $0xA;
	s2 =	sadd.s32 s3, s2  }
0x8d: {  	s2 =	sadd.s32 s2, s18  }
0x8e: {  	[smem:$0x3FC4] =	sst s2  }
0x8f: {  	_ = 	snop  }
0x90: {  	s2 =	sld [smem:$0x3FC9]  }
0x91: {  	s19 =	sld [smem:$0x3FC8]  }
0x92: {  	s4 =	sld [smem:$0x3FC7]  }
0x93: {  	s5 =	sld [smem:$0x3FC6]  }
0x94: {  	s6 =	sld [smem:$0x3FD0];
	(tm) =	ssettm $0x1  }
0x95: {  	s7 =	sld [smem:$0x3FFB];
	_ =	sdelay $0x3  }
0x96: {  	_ =	strace s7  }
0x97: {  	s7 =	sld [smem:$0x3FFC];
	_ =	sdelay $0x3  }
0x98: {  	_ =	strace s7  }
0x99: {  	s7 =	sld [smem:$0x3FFD];
	_ =	sdelay $0x3  }
0x9a: {  	_ =	strace s7  }
0x9b: {  	_ =	strace $0x8FFFFFFF  }
0x9c: {  	s20 =	sld [smem:$0x3FDB];
	_ =	sdelay $0x1  }
0x9d: {  	s8 =	simm.s32 $_scs_section_size  }
0x9e: {  	s9 =	simm.s32 $_size__tile_overlayer_lowered;
	s10 =	simm.s32 $_tile_overlayer_lowered  }
0x9f: {  	s23 =	simm.s32 $0x1BFF;
	s22 =	sshll.u32 s10, $0x1;
	s7 =	sadd.s32 s8, s20  }
0xa0: {  	s11 =	simm.s32 $0x0;
	s21 =	sshll.u32 s9, $0x1;
	s9 =	sadd.s32 s22, s7  }
0xa1: {  	[timem:s11], [sflag:s23] =	dma.local [hbm:s9], s21  }
0xa2: {  	_ =	swait.ge [sflag:s23], s21  }
0xa3: {  	s8 =	ssub.s32 $0x0, s21;
	[sflag:s23] =	ssyncset.done $0x0  }
0xa4: {  	[sflag:s23] =	ssyncadd.s32 s8;
	_ =	sdelay $0x1  }
0xa5: {  	s24 =	simm.s32 $0x1B8B  }
0xa6: {  	_ =	swait.ge [sflag:s24], $0x1  }
0xa7: {  	[sflag:s24] =	ssyncset.done $0x0  }
0xa8: {  	s25 =	simm.s32 $0x1B8E;
	[sflag:s24] =	ssyncadd.s32 $0xFFFFFFFF  }
0xa9: {  	s26 =	simm.s32 $execute0_lowered;
	[smem:$0x3FD2] =	sst s25  }
0xaa: {  	s8 =	sshll.u32 s26, $0x1;
	_ =	strace $0x80000046;
	[dreg:$0x1] =	wrdreg $0xFFFFFFFF  }
0xab: {  	s28 =	simm.s32 $_size_execute0_lowered;
	s7 =	sadd.s32 s7, s8;
	[dreg:$0x0] =	wrdreg $0x0  }
0xac: {  	s8 =	sshll.u32 s28, $0x1;
	[dreg:$0x2] =	wrdreg s7  }
0xad: {  	[dreg:$0x3] =	wrdreg s8  }
0xae: {  	[dreg:$0x4] =	wrdreg $0xC0  }
0xaf: {  	_ =	task [dreg:s11], $0x5FFFF  }
0xb0: {  	[dreg:$0x1] =	wrdreg $0xFFFFFFFF  }
0xb1: {  	[dreg:$0x0] =	wrdreg $0x60  }
0xb2: {  	[dreg:$0x2] =	wrdreg s2  }
0xb3: {  	[dreg:$0x3] =	wrdreg s19  }
0xb4: {  	[dreg:$0x4] =	wrdreg s4  }
0xb5: {  	[dreg:$0x5] =	wrdreg s5  }
0xb6: {  	[dreg:$0x6] =	wrdreg s6  }
0xb7: {  	[dreg:$0x7] =	wrdreg $0x9  }
0xb8: {  	_ =	task.clear_ibuf [dreg:s11], $0x8FFFF;
	_ =	strace $0x90000046  }
0xb9: {  	s29 =	simm.s32 $0x9;
	_ =	strace $0x80000048  }
0xba: {  	_ =	swait.ge [sflag:s29], $0x1  }
0xbb: {  	[sflag:s29] =	ssyncadd.s32 $0xFFFFFFFF  }
0xbc: {  	_ =	strace $0x90000048  }
0xbd: {  	_ =	sfence  }
0xbe: {  	s30 =	sld [smem:$0x0];
	_ =	sdelay $0x2  }
0xbf: {  	s31 =	sshll.u32 s1, $0xD;
	s1 =	sshrl.u32 s1, $0x2  }
0xc0: {  	s3 =	sand.u32 $0x4000, s31;
	s1 =	sadd.s32 s1, s30  }
0xc1: {  	s0 =	sor.u32 s3, s0;
	s1 =	sshll.u32 s1, $0x11  }
0xc2: {  	s0 =	sor.u32 s1, s0  }
0xc3: {  	s0 =	sadd.s32 $0x8F2B, s0  }
0xc4: {  	[sflag:s0] =	ssyncadd.remote.s32 $0x1  }
0xc5: {  	_ =	sfence.sel $0xFFFF  }
0xc6: {  	[dreg:$0x0] =	wrdreg $0xFFFFFFFF;
	(pc) =	sbr.abs _section_cstart, $3  }
0xc7: {  	[dreg:$0x1] =	wrdreg $0xFFFFFFFF  }
0xc8: {  	_ =	task.clear_ibuf [dreg:s11], $0x2FFFF;
	_ =	strace $0x9FFFFFFF  }
0xc9: {  	(tm) =	ssettm $0x7FFFFFFF  }
tec
execute0_lowered:
.L_overlay_start_1:
0x0: {  	(tag) =	ssettag $0x1  }
0x1: {  	s0 =	rddreg [dreg:$0x0]  }
0x2: {  	s1 =	rddreg [dreg:$0x1]  }
0x3: {  	s2 =	rddreg [dreg:$0x4]  }
0x4: {  	s5 =	srdreg.scid;
	s3 =	stileid.u32  }
0x5: {  	s4 =	simm.s32 $0x0;
	s13 =	simm.s32 $0x6800;
	s14 =	simm.s32 $0x6900  }
0x6: {  	s15 =	simm.s32 $0x800;
	s16 =	simm.s32 $0x2800;
	s17 =	simm.s32 $0x1800  }
0x7: {  	s18 =	simm.s32 $0x3800;
	s19 =	simm.s32 $0x1;
	s20 =	simm.s32 $0x2  }
0x8: {  	s21 =	simm.s32 $0x3;
	s22 =	simm.s32 $0x4;
	s23 =	simm.s32 $0x6A00  }
0x9: {  	s24 =	simm.s32 $0x6A80;
	s25 =	simm.s32 $0x4800;
	s28 =	simm.s32 $0x5  }
0xa: {  	s29 =	simm.s32 $0x0;
	s5 =	sand.u32 $0x1, s5;
	s6 =	sshll.u32 s3, $0x1  }
0xb: {  	v0 =	vlaneseq.u32;
	[smem:$0x7FF] =	sst s4;
	s7 =	ssub.s32 $0x2, s5;
	s5 =	sor.u32 s5, s6  }
0xc: {  	v1 =	vor.u32 $0x80, v0;
	v2 =	vor.u32 $0x10, v0;
	v3 =	vor.u32 $0x90, v0;
	_ =	strace $0x80000047;
	s26 =	sshrl.u32 s7, $0x1;
	s10 =	sshll.u32 s5, $0xA  }
0xd: {  	v4 =	vor.u32 $0x20, v0;
	v5 =	vor.u32 $0xA0, v0;
	v6 =	vor.u32 $0x30, v0;
	s30 =	sshll.u32 s5, $0x8;
	s12 =	ssub.s32 s7, s26;
	s5 =	sadd.s32 s1, s10  }
0xe: {  	v7 =	vor.u32 $0xB0, v0;
	v8 =	vor.u32 $0x40, v0;
	v9 =	vor.u32 $0xC0, v0;
	s6 =	sadd.s32 s0, s30;
	s31 =	sor.u32 $0x200, s10;
	s10 =	sadd.s32 s2, s10  }
0xf: {  	v10 =	vor.u32 $0x50, v0;
	v11 =	vor.u32 $0xD0, v0;
	v12 =	vor.u32 $0x60, v0;
	s26 =	simm.s32 $0x5800;
	s7 =	sadd.s32 $0x8000, s5;
	s8 =	sadd.s32 s1, s31  }
0x10: {  	v13 =	vor.u32 $0xE0, v0;
	v14 =	vor.u32 $0x70, v0;
	v15 =	vor.u32 $0xF0, v0;
	s9 =	sadd.s32 $0x8200, s5;
	s11 =	sadd.s32 s2, s31;
	s12 =	smax.u32 s12, $0x1  }
.LBB2_1:
0x11: {  	s0 =	rddreg [dreg:$0x2]  }
0x12: {  	[tilespmem:s13], [sflag:$0x1] =	stream.linear.gather [hbm4b:s0+s4], $0x100, $0x38;
	[tilespmem:$0x6B00] =	vst v63  }
0x13: {  	s1 =	rddreg [dreg:$0x3]  }
0x14: {  	[tilespmem:s14], [sflag:$0x1] =	stream.linear.gather [hbm4b:s1+s4], $0x100, $0x38;
	[tilespmem:$0x6B00] =	vst v63  }
0x15: {  	_ = 	snop  }
0x16: {  	[tilespmem:s4], [sflag:$0x2] =	stream.linear.gather [hbm4b:s6+s4], $0x800, $0x38;
	[tilespmem:$0x6B00] =	vst v63  }
0x17: {  	_ = 	snop  }
0x18: {  	[tilespmem:s15], [sflag:$0x3] =	stream.linear.gather [hbm4b:s5+s4], $0x1000, $0x38;
	[tilespmem:$0x6B00] =	vst v63  }
0x19: {  	_ = 	snop  }
0x1a: {  	[tilespmem:s16], [sflag:$0x4] =	stream.linear.gather [hbm4b:s7+s4], $0x1000, $0x38;
	[tilespmem:$0x6B00] =	vst v63  }
0x1b: {  	_ = 	snop  }
0x1c: {  	[tilespmem:s17], [sflag:$0x3] =	stream.linear.gather [hbm4b:s8+s4], $0x1000, $0x38;
	[tilespmem:$0x6B00] =	vst v63  }
0x1d: {  	_ = 	snop  }
0x1e: {  	[tilespmem:s18], [sflag:$0x4] =	stream.linear.gather [hbm4b:s9+s4], $0x1000, $0x38;
	[tilespmem:$0x6B00] =	vst v63  }
0x1f: {  	_ =	swait.ge [sflag:s19], $0x100  }
0x20: {  	[sflag:s19] =	ssyncset.done $0x0  }
0x21: {  	[sflag:s19] =	ssyncadd.s32 $0xFFFFFF00  }
0x22: {  	_ =	swait.ge [sflag:s19], $0x100  }
0x23: {  	[sflag:s19] =	ssyncset.done $0x0  }
0x24: {  	[sflag:s19] =	ssyncadd.s32 $0xFFFFFF00  }
0x25: {  	v16 =	vld.idx.msk [tilespmem:v0+s14+$0x0], $0xffff;
	_ =	sdelay $0x4  }
0x26: {  	v16 =	vadd.s32 $0xFFFFFFFF, v16  }
0x27: {  	v17 =	vld.idx.msk [tilespmem:v1+s14+$0x0], $0xffff;
	_ =	sdelay $0x3  }
0x28: {  	v16 =	vld.idx.msk [tilespmem:v16+s13+$0x0], $0xffff  }
0x29: {  	v17 =	vadd.s32 $0xFFFFFFFF, v17;
	_ =	sdelay $0x3  }
0x2a: {  	[tilespmem:$0x6A00] =	vst v16  }
0x2b: {  	v16 =	vld.idx.msk [tilespmem:v17+s13+$0x0], $0xffff;
	_ =	sdelay $0x4  }
0x2c: {  	[tilespmem:$0x6A80] =	vst v16  }
0x2d: {  	v16 =	vld.idx.msk [tilespmem:v2+s14+$0x0], $0xffff;
	_ =	sdelay $0x4  }
0x2e: {  	v16 =	vadd.s32 $0xFFFFFFFF, v16  }
0x2f: {  	v17 =	vld.idx.msk [tilespmem:v3+s14+$0x0], $0xffff;
	_ =	sdelay $0x3  }
0x30: {  	v16 =	vld.idx.msk [tilespmem:v16+s13+$0x0], $0xffff  }
0x31: {  	v17 =	vadd.s32 $0xFFFFFFFF, v17;
	_ =	sdelay $0x3  }
0x32: {  	[tilespmem:$0x6A10] =	vst v16  }
0x33: {  	v16 =	vld.idx.msk [tilespmem:v17+s13+$0x0], $0xffff;
	_ =	sdelay $0x4  }
0x34: {  	[tilespmem:$0x6A90] =	vst v16  }
0x35: {  	v16 =	vld.idx.msk [tilespmem:v4+s14+$0x0], $0xffff;
	_ =	sdelay $0x4  }
0x36: {  	v16 =	vadd.s32 $0xFFFFFFFF, v16  }
0x37: {  	v17 =	vld.idx.msk [tilespmem:v5+s14+$0x0], $0xffff;
	_ =	sdelay $0x3  }
0x38: {  	v16 =	vld.idx.msk [tilespmem:v16+s13+$0x0], $0xffff  }
0x39: {  	v17 =	vadd.s32 $0xFFFFFFFF, v17;
	_ =	sdelay $0x3  }
0x3a: {  	[tilespmem:$0x6A20] =	vst v16  }
0x3b: {  	v16 =	vld.idx.msk [tilespmem:v17+s13+$0x0], $0xffff;
	_ =	sdelay $0x4  }
0x3c: {  	[tilespmem:$0x6AA0] =	vst v16  }
0x3d: {  	v16 =	vld.idx.msk [tilespmem:v6+s14+$0x0], $0xffff;
	_ =	sdelay $0x4  }
0x3e: {  	v16 =	vadd.s32 $0xFFFFFFFF, v16  }
0x3f: {  	v17 =	vld.idx.msk [tilespmem:v7+s14+$0x0], $0xffff;
	_ =	sdelay $0x3  }
0x40: {  	v16 =	vld.idx.msk [tilespmem:v16+s13+$0x0], $0xffff  }
0x41: {  	v17 =	vadd.s32 $0xFFFFFFFF, v17;
	_ =	sdelay $0x3  }
0x42: {  	[tilespmem:$0x6A30] =	vst v16  }
0x43: {  	v16 =	vld.idx.msk [tilespmem:v17+s13+$0x0], $0xffff;
	_ =	sdelay $0x4  }
0x44: {  	[tilespmem:$0x6AB0] =	vst v16  }
0x45: {  	v16 =	vld.idx.msk [tilespmem:v8+s14+$0x0], $0xffff;
	_ =	sdelay $0x4  }
0x46: {  	v16 =	vadd.s32 $0xFFFFFFFF, v16  }
0x47: {  	v17 =	vld.idx.msk [tilespmem:v9+s14+$0x0], $0xffff;
	_ =	sdelay $0x3  }
0x48: {  	v16 =	vld.idx.msk [tilespmem:v16+s13+$0x0], $0xffff  }
0x49: {  	v17 =	vadd.s32 $0xFFFFFFFF, v17;
	_ =	sdelay $0x3  }
0x4a: {  	[tilespmem:$0x6A40] =	vst v16  }
0x4b: {  	v16 =	vld.idx.msk [tilespmem:v17+s13+$0x0], $0xffff;
	_ =	sdelay $0x4  }
0x4c: {  	[tilespmem:$0x6AC0] =	vst v16  }
0x4d: {  	v16 =	vld.idx.msk [tilespmem:v10+s14+$0x0], $0xffff;
	_ =	sdelay $0x4  }
0x4e: {  	v16 =	vadd.s32 $0xFFFFFFFF, v16  }
0x4f: {  	v17 =	vld.idx.msk [tilespmem:v11+s14+$0x0], $0xffff;
	_ =	sdelay $0x3  }
0x50: {  	v16 =	vld.idx.msk [tilespmem:v16+s13+$0x0], $0xffff  }
0x51: {  	v17 =	vadd.s32 $0xFFFFFFFF, v17;
	_ =	sdelay $0x3  }
0x52: {  	[tilespmem:$0x6A50] =	vst v16  }
0x53: {  	v16 =	vld.idx.msk [tilespmem:v17+s13+$0x0], $0xffff;
	_ =	sdelay $0x4  }
0x54: {  	[tilespmem:$0x6AD0] =	vst v16  }
0x55: {  	v16 =	vld.idx.msk [tilespmem:v12+s14+$0x0], $0xffff;
	_ =	sdelay $0x4  }
0x56: {  	v16 =	vadd.s32 $0xFFFFFFFF, v16  }
0x57: {  	v17 =	vld.idx.msk [tilespmem:v13+s14+$0x0], $0xffff;
	_ =	sdelay $0x3  }
0x58: {  	v16 =	vld.idx.msk [tilespmem:v16+s13+$0x0], $0xffff  }
0x59: {  	v17 =	vadd.s32 $0xFFFFFFFF, v17;
	_ =	sdelay $0x3  }
0x5a: {  	[tilespmem:$0x6A60] =	vst v16  }
0x5b: {  	v16 =	vld.idx.msk [tilespmem:v17+s13+$0x0], $0xffff;
	_ =	sdelay $0x4  }
0x5c: {  	[tilespmem:$0x6AE0] =	vst v16  }
0x5d: {  	v16 =	vld.idx.msk [tilespmem:v14+s14+$0x0], $0xffff;
	_ =	sdelay $0x4  }
0x5e: {  	v16 =	vadd.s32 $0xFFFFFFFF, v16  }
0x5f: {  	v17 =	vld.idx.msk [tilespmem:v15+s14+$0x0], $0xffff;
	_ =	sdelay $0x3  }
0x60: {  	v16 =	vld.idx.msk [tilespmem:v16+s13+$0x0], $0xffff  }
0x61: {  	v17 =	vadd.s32 $0xFFFFFFFF, v17;
	_ =	sdelay $0x3  }
0x62: {  	[tilespmem:$0x6A70] =	vst v16  }
0x63: {  	v16 =	vld.idx.msk [tilespmem:v17+s13+$0x0], $0xffff;
	_ =	sdelay $0x4  }
0x64: {  	[tilespmem:$0x6AF0] =	vst v16  }
0x65: {  	_ =	swait.ge [sflag:s20], $0x800  }
0x66: {  	[sflag:s20] =	ssyncset.done $0x0  }
0x67: {  	[sflag:s20] =	ssyncadd.s32 $0xFFFFF800  }
0x68: {  	_ =	swait.ge [sflag:s21], $0x1000  }
0x69: {  	[sflag:s21] =	ssyncset.done $0x0  }
0x6a: {  	[sflag:s21] =	ssyncadd.s32 $0xFFFFF000  }
0x6b: {  	_ =	swait.ge [sflag:s22], $0x1000  }
0x6c: {  	[sflag:s22] =	ssyncset.done $0x0  }
0x6d: {  	s2 =	simm.s32 $0x0;
	[sflag:s22] =	ssyncadd.s32 $0xFFFFF000  }
0x6e: {  	v16 =	vld [tilespmem:s2+$0x0];
	_ =	sdelay $0x2  }
0x6f: {  	s3 =	sand.u32 $0xE00, s4;
	s1 =	sand.u32 $0x70, s4  }
0x70: {  	s30 =	sor.u32 s1, s3  }
0x71: {  	v17 =	vld [tilespmem:s30+$0x980]  }
0x72: {  	s2 =	simm.s32 $0x10;
	v18 =	vld [tilespmem:s30+$0x800]  }
0x73: {  	v20 =	vld [tilespmem:s2+$0x0]  }
0x74: {  	v19 =	vld.idx.msk [tilespmem:v16+s23+$0x0], $0xffff  }
0x75: {  	v23 =	vld.idx.msk [tilespmem:v16+s24+$0x0], $0xffff  }
0x76: {  	v16 =	vld [tilespmem:s30+$0x2980]  }
0x77: {  	v21 =	vld [tilespmem:s30+$0x2800]  }
0x78: {  	v22 =	vld [tilespmem:s30+$0x880]  }
0x79: {  	s3 =	simm.s32 $0x10;
	v24 =	vld [tilespmem:s30+$0x2880];
	s2 =	simm.s32 $0x40  }
0x7a: {  	s0 =	sand.u32 $0x70, s3;
	v25 =	vld [tilespmem:s30+$0x900];
	s1 =	sand.u32 $0xE00, s2  }
0x7b: {  	v26 =	vld [tilespmem:s30+$0x2900];
	s31 =	sor.u32 s0, s1;
	v17 =	vmul.f32 v17, v19;
	v16 =	vmul.f32 v16, v23  }
0x7c: {  	v27 =	vmul.f32 v18, v19;
	v18 =	vld [tilespmem:s31+$0x980];
	v21 =	vmul.f32 v21, v23  }
0x7d: {  	v28 =	vadd.f32 v16, v17;
	v17 =	vld.idx.msk [tilespmem:v20+s23+$0x0], $0xffff  }
0x7e: {  	v22 =	vmul.f32 v22, v19;
	v24 =	vmul.f32 v24, v23;
	v16 =	vld.idx.msk [tilespmem:v20+s24+$0x0], $0xffff;
	v27 =	vadd.f32 v21, v27  }
0x7f: {  	s3 =	simm.s32 $0x20;
	v20 =	vld [tilespmem:s31+$0x2980];
	[tilespmem:s30+$0x4980] =	vst v28  }
0x80: {  	s2 =	simm.s32 $0x80;
	s0 =	simm.s32 $0x20;
	s1 =	simm.s32 $0x30;
	v23 =	vmul.f32 v26, v23;
	v21 =	vmul.f32 v25, v19;
	v19 =	vld [tilespmem:s3+$0x0];
	v22 =	vadd.f32 v24, v22;
	[tilespmem:s30+$0x4800] =	vst v27  }
.LBB2_2:
0x81: {  	p0 =	sne.s32 s1, $0x3F0;
	v24 =	vld [tilespmem:s31+$0x800]  }
0x82: {  	v25 =	vld [tilespmem:s31+$0x2800];
	[tilespmem:s30+$0x4880] =	vst v22;
	v21 =	vadd.f32 v23, v21  }
0x83: {  	v23 =	vmov v17;
	v22 =	vld [tilespmem:s31+$0x880]  }
0x84: {  	v17 =	vmul.f32 v18, v23;
	v27 =	vmov v16;
	v26 =	vld [tilespmem:s31+$0x2880];
	v18 =	vmul.f32 v20, v16;
	[tilespmem:s30+$0x4900] =	vst v21;
	s30 =	smov.u32 s31  }
0x85: {  	s3 =	sand.u32 $0x70, s0;
	s0 =	smov.u32 s1;
	s31 =	sand.u32 $0xE00, s2;
	v21 =	vld [tilespmem:s30+$0x900]  }
0x86: {  	s31 =	sor.u32 s3, s31;
	v20 =	vmul.f32 v24, v23;
	v24 =	vld [tilespmem:s30+$0x2900];
	v16 =	vadd.f32 v18, v17  }
.Ltmp0:
0x87: {  	v18 =	vld [tilespmem:s31+$0x980];
	v25 =	vmul.f32 v25, v27;
	(pc) =	sbr.rel @p0 .LBB2_2-.Ltmp0, $4  }
0x88: {  	v17 =	vld.idx.msk [tilespmem:v19+s23+$0x0], $0xffff;
	v22 =	vmul.f32 v22, v23;
	[tilespmem:s30+$0x4980] =	vst v16  }
0x89: {  	s2 =	sadd.s32 $0x40, s2;
	v16 =	vld.idx.msk [tilespmem:v19+s24+$0x0], $0xffff;
	v25 =	vadd.f32 v25, v20;
	v26 =	vmul.f32 v26, v27  }
0x8a: {  	s3 =	sshra.s32 s2, $0x2;
	v20 =	vld [tilespmem:s31+$0x2980];
	v21 =	vmul.f32 v21, v23  }
0x8b: {  	s1 =	sadd.s32 $0x10, s1;
	v19 =	vld [tilespmem:s3+$0x0];
	[tilespmem:s30+$0x4800] =	vst v25;
	v22 =	vadd.f32 v26, v22;
	v23 =	vmul.f32 v24, v27  }
0x8c: {  	v24 =	vld [tilespmem:s31+$0x800]  }
0x8d: {  	v25 =	vld [tilespmem:s31+$0x2800]  }
0x8e: {  	v26 =	vld [tilespmem:s31+$0x880]  }
0x8f: {  	v27 =	vld [tilespmem:s31+$0x2880]  }
0x90: {  	s1 =	sand.u32 $0xE00, s2;
	s0 =	sand.u32 $0x70, s0;
	v28 =	vld [tilespmem:s31+$0x900]  }
0x91: {  	v29 =	vld [tilespmem:s31+$0x2900];
	s0 =	sor.u32 s0, s1  }
0x92: {  	v30 =	vld [tilespmem:s0+$0x980]  }
0x93: {  	v32 =	vld [tilespmem:s0+$0x2980]  }
0x94: {  	v33 =	vld [tilespmem:s0+$0x800]  }
0x95: {  	v34 =	vld [tilespmem:s0+$0x2800]  }
0x96: {  	v35 =	vld [tilespmem:s0+$0x880]  }
0x97: {  	v31 =	vld.idx.msk [tilespmem:v19+s23+$0x0], $0xffff  }
0x98: {  	v19 =	vld.idx.msk [tilespmem:v19+s24+$0x0], $0xffff  }
0x99: {  	v18 =	vmul.f32 v18, v17;
	v36 =	vld [tilespmem:s0+$0x2880];
	v20 =	vmul.f32 v20, v16  }
0x9a: {  	v21 =	vadd.f32 v23, v21;
	v57 =	vld [tilespmem:s0+$0x900];
	v23 =	vmul.f32 v24, v17;
	v56 =	vmul.f32 v25, v16  }
0x9b: {  	[tilespmem:s30+$0x4880] =	vst v22;
	v58 =	vld [tilespmem:s0+$0x2900];
	v18 =	vadd.f32 v20, v18;
	v20 =	vmul.f32 v26, v17;
	v22 =	vmul.f32 v27, v16  }
0x9c: {  	[tilespmem:s30+$0x4900] =	vst v21;
	v17 =	vmul.f32 v28, v17;
	v16 =	vmul.f32 v29, v16;
	v21 =	vadd.f32 v56, v23  }
0x9d: {  	[tilespmem:s31+$0x4980] =	vst v18;
	v18 =	vadd.f32 v22, v20;
	v20 =	vmul.f32 v30, v31;
	v22 =	vmul.f32 v32, v19  }
0x9e: {  	v16 =	vadd.f32 v16, v17;
	[tilespmem:s31+$0x4800] =	vst v21;
	v17 =	vmul.f32 v33, v31;
	v21 =	vmul.f32 v34, v19  }
0x9f: {  	[tilespmem:s31+$0x4880] =	vst v18;
	v18 =	vadd.f32 v22, v20;
	v20 =	vmul.f32 v35, v31;
	v22 =	vmul.f32 v36, v19  }
0xa0: {  	[tilespmem:s31+$0x4900] =	vst v16;
	v16 =	vadd.f32 v21, v17;
	v17 =	vmul.f32 v57, v31;
	v19 =	vmul.f32 v58, v19  }
0xa1: {  	[tilespmem:s0+$0x4980] =	vst v18;
	v18 =	vadd.f32 v22, v20  }
0xa2: {  	[tilespmem:s0+$0x4800] =	vst v16;
	v16 =	vadd.f32 v19, v17  }
0xa3: {  	[tilespmem:s0+$0x4880] =	vst v18  }
0xa4: {  	[tilespmem:s0+$0x4900] =	vst v16  }
0xa5: {  	[hbm4b:s10+s4] =	stream.linear.scatter [tilespmem:s25], [sflag:$0x5], $0x1000, $0x38;
	[tilespmem:$0x6B00] =	vst v63  }
0xa6: {  	_ =	swait.ge [sflag:s21], $0x1000  }
0xa7: {  	[sflag:s21] =	ssyncset.done $0x0  }
0xa8: {  	[sflag:s21] =	ssyncadd.s32 $0xFFFFF000  }
0xa9: {  	_ =	swait.ge [sflag:s22], $0x1000  }
0xaa: {  	[sflag:s22] =	ssyncset.done $0x0  }
0xab: {  	s1 =	simm.s32 $0x400;
	[sflag:s22] =	ssyncadd.s32 $0xFFFFF000  }
0xac: {  	v16 =	vld [tilespmem:s1+$0x0];
	_ =	sdelay $0x2  }
0xad: {  	s2 =	simm.s32 $0x400;
	s3 =	simm.s32 $0x1000  }
0xae: {  	s0 =	sand.u32 $0x70, s2;
	s2 =	simm.s32 $0x410;
	s1 =	sand.u32 $0x1E00, s3  }
0xaf: {  	v20 =	vld [tilespmem:s2+$0x0];
	s30 =	sor.u32 s0, s1  }
0xb0: {  	v17 =	vld [tilespmem:s30+$0x980]  }
0xb1: {  	v18 =	vld [tilespmem:s30+$0x800]  }
0xb2: {  	v19 =	vld.idx.msk [tilespmem:v16+s23+$0x0], $0xffff  }
0xb3: {  	v23 =	vld.idx.msk [tilespmem:v16+s24+$0x0], $0xffff  }
0xb4: {  	v16 =	vld [tilespmem:s30+$0x2980]  }
0xb5: {  	v21 =	vld [tilespmem:s30+$0x2800]  }
0xb6: {  	v22 =	vld [tilespmem:s30+$0x880]  }
0xb7: {  	s3 =	simm.s32 $0x410;
	s2 =	simm.s32 $0x1040;
	v59 =	vld [tilespmem:s30+$0x2880]  }
0xb8: {  	s1 =	sand.u32 $0x1E00, s2;
	s0 =	sand.u32 $0x70, s3;
	v60 =	vld [tilespmem:s30+$0x900]  }
0xb9: {  	s31 =	sor.u32 s0, s1;
	v61 =	vld [tilespmem:s30+$0x2900];
	v17 =	vmul.f32 v17, v19;
	v16 =	vmul.f32 v16, v23  }
0xba: {  	v62 =	vmul.f32 v18, v19;
	v18 =	vld [tilespmem:s31+$0x980];
	v21 =	vmul.f32 v21, v23  }
0xbb: {  	v63 =	vadd.f32 v16, v17;
	v17 =	vld.idx.msk [tilespmem:v20+s23+$0x0], $0xffff  }
0xbc: {  	v22 =	vmul.f32 v22, v19;
	v24 =	vmul.f32 v59, v23;
	v16 =	vld.idx.msk [tilespmem:v20+s24+$0x0], $0xffff;
	v27 =	vadd.f32 v21, v62  }
0xbd: {  	s3 =	simm.s32 $0x420;
	v20 =	vld [tilespmem:s31+$0x2980];
	[tilespmem:s30+$0x4980] =	vst v63  }
0xbe: {  	s2 =	simm.s32 $0x1080;
	s0 =	simm.s32 $0x420;
	s1 =	simm.s32 $0x430;
	v23 =	vmul.f32 v61, v23;
	v21 =	vmul.f32 v60, v19;
	v19 =	vld [tilespmem:s3+$0x0];
	v22 =	vadd.f32 v24, v22;
	[tilespmem:s30+$0x4800] =	vst v27  }
.LBB2_4:
0xbf: {  	p0 =	sne.s32 s1, $0x7F0;
	v24 =	vld [tilespmem:s31+$0x800]  }
0xc0: {  	v25 =	vld [tilespmem:s31+$0x2800];
	[tilespmem:s30+$0x4880] =	vst v22;
	v21 =	vadd.f32 v23, v21  }
0xc1: {  	v23 =	vmov v17;
	v22 =	vld [tilespmem:s31+$0x880]  }
0xc2: {  	v17 =	vmul.f32 v18, v23;
	v27 =	vmov v16;
	v26 =	vld [tilespmem:s31+$0x2880];
	v18 =	vmul.f32 v20, v16;
	[tilespmem:s30+$0x4900] =	vst v21;
	s30 =	smov.u32 s31  }
0xc3: {  	s3 =	sand.u32 $0x1E00, s2;
	s31 =	sand.u32 $0x70, s0;
	s0 =	smov.u32 s1;
	v21 =	vld [tilespmem:s30+$0x900]  }
0xc4: {  	s31 =	sor.u32 s31, s3;
	v20 =	vmul.f32 v24, v23;
	v24 =	vld [tilespmem:s30+$0x2900];
	v16 =	vadd.f32 v18, v17  }
.Ltmp1:
0xc5: {  	v18 =	vld [tilespmem:s31+$0x980];
	v25 =	vmul.f32 v25, v27;
	(pc) =	sbr.rel @p0 .LBB2_4-.Ltmp1, $4  }
0xc6: {  	v17 =	vld.idx.msk [tilespmem:v19+s23+$0x0], $0xffff;
	v22 =	vmul.f32 v22, v23;
	[tilespmem:s30+$0x4980] =	vst v16  }
0xc7: {  	s2 =	sadd.s32 $0x40, s2;
	v16 =	vld.idx.msk [tilespmem:v19+s24+$0x0], $0xffff;
	v25 =	vadd.f32 v25, v20;
	v26 =	vmul.f32 v26, v27  }
0xc8: {  	s3 =	sshra.s32 s2, $0x2;
	v20 =	vld [tilespmem:s31+$0x2980];
	v21 =	vmul.f32 v21, v23  }
0xc9: {  	s1 =	sadd.s32 $0x10, s1;
	v19 =	vld [tilespmem:s3+$0x0];
	[tilespmem:s30+$0x4800] =	vst v25;
	v22 =	vadd.f32 v26, v22;
	v23 =	vmul.f32 v24, v27  }
0xca: {  	v24 =	vld [tilespmem:s31+$0x800]  }
0xcb: {  	v25 =	vld [tilespmem:s31+$0x2800]  }
0xcc: {  	v26 =	vld [tilespmem:s31+$0x880]  }
0xcd: {  	v27 =	vld [tilespmem:s31+$0x2880]  }
0xce: {  	s1 =	sand.u32 $0x1E00, s2;
	s0 =	sand.u32 $0x70, s0;
	v28 =	vld [tilespmem:s31+$0x900]  }
0xcf: {  	v29 =	vld [tilespmem:s31+$0x2900];
	s0 =	sor.u32 s0, s1  }
0xd0: {  	v30 =	vld [tilespmem:s0+$0x980]  }
0xd1: {  	v32 =	vld [tilespmem:s0+$0x2980]  }
0xd2: {  	v33 =	vld [tilespmem:s0+$0x800]  }
0xd3: {  	v34 =	vld [tilespmem:s0+$0x2800]  }
0xd4: {  	v35 =	vld [tilespmem:s0+$0x880]  }
0xd5: {  	v31 =	vld.idx.msk [tilespmem:v19+s23+$0x0], $0xffff  }
0xd6: {  	v48 =	vld.idx.msk [tilespmem:v19+s24+$0x0], $0xffff  }
0xd7: {  	v18 =	vmul.f32 v18, v17;
	v36 =	vld [tilespmem:s0+$0x2880];
	v20 =	vmul.f32 v20, v16  }
0xd8: {  	v21 =	vadd.f32 v23, v21;
	v51 =	vld [tilespmem:s0+$0x900];
	v49 =	vmul.f32 v24, v17;
	v50 =	vmul.f32 v25, v16  }
0xd9: {  	[tilespmem:s30+$0x4880] =	vst v22;
	v54 =	vld [tilespmem:s0+$0x2900];
	v18 =	vadd.f32 v20, v18;
	v52 =	vmul.f32 v26, v17;
	v53 =	vmul.f32 v27, v16  }
0xda: {  	[tilespmem:s30+$0x4900] =	vst v21;
	v17 =	vmul.f32 v28, v17;
	v16 =	vmul.f32 v29, v16;
	v55 =	vadd.f32 v50, v49  }
0xdb: {  	[tilespmem:s31+$0x4980] =	vst v18;
	v56 =	vadd.f32 v53, v52;
	v57 =	vmul.f32 v30, v31;
	v58 =	vmul.f32 v32, v48  }
0xdc: {  	v16 =	vadd.f32 v16, v17;
	[tilespmem:s31+$0x4800] =	vst v55;
	v17 =	vmul.f32 v33, v31;
	v59 =	vmul.f32 v34, v48  }
0xdd: {  	[tilespmem:s31+$0x4880] =	vst v56;
	v61 =	vmul.f32 v35, v31;
	v62 =	vmul.f32 v36, v48;
	v60 =	vadd.f32 v58, v57  }
0xde: {  	[tilespmem:s31+$0x4900] =	vst v16;
	v19 =	vmul.f32 v54, v48;
	v16 =	vadd.f32 v59, v17;
	v17 =	vmul.f32 v51, v31  }
0xdf: {  	v63 =	vadd.f32 v62, v61;
	[tilespmem:s0+$0x4980] =	vst v60  }
0xe0: {  	[tilespmem:s0+$0x4800] =	vst v16;
	v16 =	vadd.f32 v19, v17  }
0xe1: {  	[tilespmem:s0+$0x4880] =	vst v63  }
0xe2: {  	s29 =	sadd.s32 $0x1, s29;
	[tilespmem:s0+$0x4900] =	vst v16  }
0xe3: {  	[hbm4b:s11+s4] =	stream.linear.scatter [tilespmem:s26], [sflag:$0x5], $0x1000, $0x38;
	[tilespmem:$0x6B00] =	vst v63  }
0xe4: {  	p0 =	sne.s32 s29, s12;
	_ =	swait.ge [sflag:s28], $0x1000  }
.Ltmp2:
0xe5: {  	[sflag:s28] =	ssyncset.done $0x0;
	(pc) =	sbr.rel @p0 .LBB2_1-.Ltmp2, $4  }
0xe6: {  	[sflag:s28] =	ssyncadd.s32 $0xFFFFF000  }
0xe7: {  	_ =	swait.ge [sflag:s28], $0x1000  }
0xe8: {  	[sflag:s28] =	ssyncset.done $0x0  }
0xe9: {  	[sflag:s28] =	ssyncadd.s32 $0xFFFFF000  }
0xea: {  	_ =	sfence.sel $0x180000  }
0xeb: {  	[bflag:$0x0] =	sbarrier.arrive $0xFFFF  }
0xec: {  	_ =	strace $0x90000047  }
0xed: {  	s0 =	stileid.u32;
	[bflag:$0x2] =	sbarrier.arrive $0xFFFF  }
0xee: {  	p0 =	sne.s32 s0, $0x0;
	s0 =	rddreg [dreg:$0x5]  }
0xef: {  	s0 =	sadd.s32 @!p0 $0x100000, s0  }
0xf0: {  	[sflag:s0] =	ssyncadd.tile.s32 @!p0 $0x1;
	_ =	shalt  }
.Lfunc_end2:
_tile_overlayer_lowered:
.L_overlay_start_2:
0xf1: {  	(tag) =	ssettag $0x2  }
0xf2: {  	s0 =	rddreg [dreg:$0x0];
	s2 =	stileid.u32  }
0xf3: {  	s1 =	rddreg [dreg:$0x1];
	p0 =	sne.s32 s2, $0x0  }
0xf4: {  	s3 =	rddreg [dreg:$0x2];
	[bflag:$0x3] =	sbarrier.arrive $0xFFFF;
	s2 =	simm.s32 @!p0 $0x1C06  }
0xf5: {  	[timem:s3], [sflag:s2] =	dma.local @!p0 [hbm:s0], s1  }
0xf6: {  	s0 =	simm.s32 @!p0 $0x6  }
0xf7: {  	_ =	swait.ge @!p0 [sflag:s0], s1  }
0xf8: {  	s1 =	ssub.s32 @!p0 $0x0, s1;
	[sflag:s0] =	ssyncset.done @!p0 $0x0  }
0xf9: {  	[sflag:s0] =	ssyncadd.s32 @!p0 s1  }
0xfa: {  	[bflag:$0x3] =	sbarrier.arrive $0xFFFF  }
0xfb: {  	_ =	shalt  }

</sc_bundles>
